<compile_context>
chip_gen: v7x
topology: tpu7x:2x2x1
jax: 0.10.2.dev20260603
libtpu: 0.0.44.dev20260713+nightly
codegen_flags: <defaults>
</compile_context>

<pallas_src>
import functools

import jax
import jax.numpy as jnp
from jax import lax
from jax.experimental import pallas as pl
from jax.experimental.pallas import tpu as pltpu
from jax.experimental.pallas import tpu_sc as plsc

_N = 10000
_E = 320000
_D = 128
_NCLS = 47

_NPAD = 10240
_D2 = 48
_DH = 64

_NC = 2
_NS = 16
_NW = _NC * _NS
_CHUNK = 128
_CPT = 80
_EPAD = _NW * _CPT * _CHUNK
_STRIPE = _NPAD // _NS
_VPC = _CHUNK // 16
_SCW = 4


def _make_sc_agg(D, with_count, feat_in_spmem=False):
  mesh = plsc.VectorSubcoreMesh(core_axis_name="c", subcore_axis_name="s",
                                num_cores=_NC, num_subcores=_NS)
  out_type = [jax.ShapeDtypeStruct((_NC, _NPAD, D), jnp.float32)]
  scratch = [
      pltpu.VMEM((_CPT, _CHUNK), jnp.int32),
      pltpu.VMEM((_CPT, _CHUNK), jnp.int32),
      pltpu.VMEM((_CHUNK, D), jnp.float32),
      pltpu.VMEM_SHARED((_NPAD, D), jnp.float32),
      pltpu.SemaphoreType.DMA,
  ]
  if with_count:
    out_type.append(jax.ShapeDtypeStruct((_NW, _NPAD), jnp.float32))
    scratch.append(pltpu.VMEM((_NPAD,), jnp.float32))
  if feat_in_spmem:
    scratch.append(pltpu.VMEM_SHARED((_NPAD, D), jnp.float32))

  @functools.partial(
      pl.kernel,
      out_type=out_type,
      mesh=mesh,
      compiler_params=pltpu.CompilerParams(use_tc_tiling_on_sc=False,
                                           needs_layout_passes=False),
      scratch_types=scratch,
  )
  def agg(feat_hbm, srcs_hbm, dsts_hbm, *rest):
    feat_sh = rest[-1] if feat_in_spmem else None
    if feat_in_spmem:
      rest = rest[:-1]
    if with_count:
      out_hbm, cnt_hbm, src_v, dst_v, rows_v, acc_sh, sem, cnt_v = rest
    else:
      out_hbm, src_v, dst_v, rows_v, acc_sh, sem = rest
    cid = lax.axis_index("c")
    sid = lax.axis_index("s")
    wid = sid * _NC + cid
    r0 = sid * _STRIPE

    pltpu.sync_copy(srcs_hbm.at[wid], src_v)
    pltpu.sync_copy(dsts_hbm.at[wid], dst_v)

    def zero_rows(i, carry):
      def zero_lane(j, carry2):
        rows_v[i, pl.ds(j * 16, 16)] = jnp.zeros((16,), jnp.float32)
        return carry2
      return lax.fori_loop(0, D // 16, zero_lane, carry)
    lax.fori_loop(0, _CHUNK, zero_rows, 0)

    def zero_stripe(k, carry):
      pltpu.sync_copy(rows_v, acc_sh.at[pl.ds(r0 + k * _CHUNK, _CHUNK)])
      return carry
    lax.fori_loop(0, _STRIPE // _CHUNK, zero_stripe, 0)
    if feat_in_spmem:
      pltpu.sync_copy(feat_hbm.at[pl.ds(r0, _STRIPE)],
                      feat_sh.at[pl.ds(r0, _STRIPE)])
    if with_count:
      def zero_cnt(i, carry):
        cnt_v[pl.ds(i * 16, 16)] = jnp.zeros((16,), jnp.float32)
        return carry
      lax.fori_loop(0, _NPAD // 16, zero_cnt, 0)
    plsc.subcore_barrier()

    def body(c, carry):
      feat_ref = feat_sh if feat_in_spmem else feat_hbm
      gat = pltpu.async_copy(feat_ref.at[src_v.at[c]], rows_v, sem)
      if with_count:
        for j in range(_VPC):
          idx = dst_v[c, pl.ds(j * 16, 16)]
          cnts, last = plsc.scan_count(idx)
          plsc.addupdate_scatter(cnt_v, [idx], cnts.astype(jnp.float32),
                                 mask=last)
      gat.wait()
      pltpu.sync_copy(rows_v, acc_sh.at[dst_v.at[c]], add=True)
      return carry

    lax.fori_loop(0, _CPT, body, 0)

    if with_count:
      pltpu.sync_copy(cnt_v, cnt_hbm.at[wid])
    plsc.subcore_barrier()
    pltpu.sync_copy(acc_sh.at[pl.ds(r0, _STRIPE)],
                    out_hbm.at[cid, pl.ds(r0, _STRIPE)])

  return agg


_agg_cache = {}


def _agg(key, D, with_count, *args):
  if key not in _agg_cache:
    _agg_cache[key] = _make_sc_agg(D, with_count, feat_in_spmem=True)
  return _agg_cache[key](*args)


_RB = 640
_GRID = _NPAD // _RB


def _tc_mid_body(acca0_ref, acca1_ref, accb0_ref, accb1_ref, cnt_ref, h_ref,
                 w1lt_ref, b1_ref, w1r_ref, w2l_ref, w2r_ref, b2_ref,
                 z_ref, r2_ref, inv_ref):
  acc_a = acca0_ref[0] + acca1_ref[0]
  acc_b = accb0_ref[0] + accb1_ref[0]
  ones = jnp.full((_NW, 1), 1.0, dtype=jnp.float32)
  cnt = lax.dot_general(cnt_ref[...], ones, (((0,), (0,)), ((), ())),
                        preferred_element_type=jnp.float32)
  inv = 1.0 / jnp.maximum(cnt, 1.0)
  mm = (jnp.dot(acc_a, w1lt_ref[...][:_DH], preferred_element_type=jnp.float32)
        + jnp.dot(acc_b, w1lt_ref[...][_DH:],
                  preferred_element_type=jnp.float32))
  x1 = (mm * inv + b1_ref[...]
        + jnp.dot(h_ref[...], w1r_ref[...], preferred_element_type=jnp.float32))
  x1 = jnp.maximum(x1, 0.0)
  z_ref[...] = jnp.dot(x1, w2l_ref[...], preferred_element_type=jnp.float32)
  r2_ref[...] = (jnp.dot(x1, w2r_ref[...], preferred_element_type=jnp.float32)
                 + b2_ref[...])
  inv_ref[...] = jnp.broadcast_to(inv, (_RB, _D2))


def _tc_mid(acc_a, acc_b, cnt_parts, h_pad, w1l_t, b1r,
            w1r_t, w2l_pad, w2r_pad, b2r):
  blk = lambda r, c: pl.BlockSpec((r, c), lambda i: (i, 0))
  full = lambda r, c: pl.BlockSpec((r, c), lambda i: (0, 0))
  return pl.pallas_call(
      _tc_mid_body,
      grid=(_GRID,),
      in_specs=[
          pl.BlockSpec((1, _RB, _DH), lambda i: (0, i, 0)),
          pl.BlockSpec((1, _RB, _DH), lambda i: (1, i, 0)),
          pl.BlockSpec((1, _RB, _DH), lambda i: (0, i, 0)),
          pl.BlockSpec((1, _RB, _DH), lambda i: (1, i, 0)),
          pl.BlockSpec((_NW, _RB), lambda i: (0, i)),
          blk(_RB, _D),
          full(_D, _D), full(1, _D), full(_D, _D),
          full(_D, _D2), full(_D, _D2), full(1, _D2),
      ],
      out_specs=[blk(_RB, _D2), blk(_RB, _D2), blk(_RB, _D2)],
      out_shape=[
          jax.ShapeDtypeStruct((_NPAD, _D2), jnp.float32),
          jax.ShapeDtypeStruct((_NPAD, _D2), jnp.float32),
          jax.ShapeDtypeStruct((_NPAD, _D2), jnp.float32),
      ],
  )(acc_a, acc_a, acc_b, acc_b, cnt_parts, h_pad, w1l_t, b1r, w1r_t,
    w2l_pad, w2r_pad, b2r)


def _tc_out_body(acc2a_ref, acc2b_ref, inv_ref, r2_ref, out_ref):
  s = (acc2a_ref[0] + acc2b_ref[0]) * inv_ref[...] + r2_ref[...]
  lane = lax.broadcasted_iota(jnp.int32, (_RB, _D2), 1)
  sm = jnp.where(lane < _NCLS, s, -jnp.inf)
  m = jnp.max(sm, axis=1, keepdims=True)
  e = jnp.where(lane < _NCLS, jnp.exp(sm - m), 0.0)
  out_ref[...] = s - (jnp.log(jnp.sum(e, axis=1, keepdims=True)) + m)


def _tc_out(acc2, inv48, r2b):
  blk = pl.BlockSpec((_RB, _D2), lambda i: (i, 0))
  return pl.pallas_call(
      _tc_out_body,
      grid=(_GRID,),
      in_specs=[pl.BlockSpec((1, _RB, _D2), lambda i: (0, i, 0)),
                pl.BlockSpec((1, _RB, _D2), lambda i: (1, i, 0)),
                blk, blk],
      out_specs=blk,
      out_shape=jax.ShapeDtypeStruct((_NPAD, _D2), jnp.float32),
  )(acc2, acc2, inv48, r2b)


def kernel(h, edge_index, W1l, b1, W1r, W2l, b2, W2r):
  h = h.astype(jnp.float32)
  src = edge_index[0].astype(jnp.int32)
  dst = edge_index[1].astype(jnp.int32)

  pad = _EPAD - _E
  src_p = jnp.concatenate([src, jnp.zeros((pad,), jnp.int32)])
  dst_p = jnp.concatenate([dst, jnp.full((pad,), _N, jnp.int32)])
  src_p = src_p.reshape(_NW, _CPT, _CHUNK)
  dst_p = dst_p.reshape(_NW, _CPT, _CHUNK)

  h_pad = jnp.zeros((_NPAD, _D), jnp.float32).at[:_N].set(h)

  w1l_t = W1l.T
  w1r_t = W1r.T
  w2l_pad = jnp.zeros((_D, _D2), jnp.float32).at[:, :_NCLS].set(W2l.T)
  w2r_pad = jnp.zeros((_D, _D2), jnp.float32).at[:, :_NCLS].set(W2r.T)
  b1r = b1.reshape(1, _D)
  b2r = jnp.zeros((1, _D2), jnp.float32).at[0, :_NCLS].set(b2)

  h_a = h_pad[:, :_DH].copy()
  h_b = h_pad[:, _DH:].copy()
  acc1a, cnt_parts = _agg(1, _DH, True, h_a, src_p, dst_p)
  acc1b = _agg(2, _DH, False, h_b, src_p, dst_p)[0]
  z, r2b, inv48 = _tc_mid(acc1a, acc1b, cnt_parts,
                          h_pad, w1l_t, b1r, w1r_t, w2l_pad, w2r_pad, b2r)
  acc2 = _agg(3, _D2, False, z, src_p, dst_p)[0]
  out = _tc_out(acc2, inv48, r2b)
  return out[:_N, :_NCLS]

# --- scband reference (transcript-rebuilt; emitter-appended) ---
"""Pipeline reference for scband-sage-pyg-58110907515586 (READ-ONLY COPY).

The authoritative reference and input builder live on the scoring server;
editing this copy changes nothing except your own understanding.
"""

import jax, jax.numpy as jnp
import numpy as np

N = 10000
E = 320000
D_IN = 128
D_H = 128
N_CLS = 47


def setup_inputs(seed: int = 0) -> dict:
    key = jax.random.key(seed)
    ks = jax.random.split(key, 8)
    h = jax.random.normal(ks[0], (N, D_IN), dtype=jnp.float32)
    edge_index = jax.random.randint(ks[1], (2, E), 0, N)
    # PyG SAGEConv params: lin_l (applied to aggregated neighbors, with bias),
    # lin_r (applied to root/self features, no bias)
    W1l = jax.random.normal(ks[2], (D_H, D_IN), dtype=jnp.float32) / np.sqrt(D_IN)
    b1 = jnp.zeros((D_H,), dtype=jnp.float32)
    W1r = jax.random.normal(ks[3], (D_H, D_IN), dtype=jnp.float32) / np.sqrt(D_IN)
    W2l = jax.random.normal(ks[4], (N_CLS, D_H), dtype=jnp.float32) / np.sqrt(D_H)
    b2 = jnp.zeros((N_CLS,), dtype=jnp.float32)
    W2r = jax.random.normal(ks[5], (N_CLS, D_H), dtype=jnp.float32) / np.sqrt(D_H)
    return {"h": h, "edge_index": edge_index, "W1l": W1l, "b1": b1, "W1r": W1r,
            "W2l": W2l, "b2": b2, "W2r": W2r}


def _sage_conv(x, edge_index, Wl, bl, Wr, num_nodes):
    # message passing: gather source-node features, mean-aggregate at dst
    src = edge_index[0]
    dst = edge_index[1]
    msgs = jnp.take(x, src, axis=0)
    agg_sum = jax.ops.segment_sum(msgs, dst, num_segments=num_nodes)
    cnt = jax.ops.segment_sum(jnp.ones((edge_index.shape[1],), dtype=x.dtype), dst,
                              num_segments=num_nodes)
    mean = agg_sum / jnp.maximum(cnt, 1.0)[:, None]
    return mean @ Wl.T + bl + x @ Wr.T


def reference(h, edge_index, W1l, b1, W1r, W2l, b2, W2r):
    # dropout is identity in eval mode
    x = _sage_conv(h, edge_index, W1l, b1, W1r, N)
    x = jax.nn.relu(x)
    x = _sage_conv(x, edge_index, W2l, b2, W2r, N)
    return jax.nn.log_softmax(x, axis=1)

if __name__ == "__main__":
    import jax
    _d = setup_inputs()
    print(jax.jit(kernel)(*tuple(_d.values())))

</pallas_src>

<mosaic_0001>
#map = affine_map<(d0, d1) -> (0, 0)>
#map1 = affine_map<(d0, d1) -> (0, 0, 0)>
module attributes {stable_mosaic.version = 14 : i64} {
  func.func @agg(%arg0: i32, %arg1: i32, %arg2: memref<10240x64xf32, #tpu.memory_space<hbm>>, %arg3: memref<32x80x128xi32, #tpu.memory_space<hbm>>, %arg4: memref<32x80x128xi32, #tpu.memory_space<hbm>>, %arg5: memref<2x10240x64xf32, #tpu.memory_space<hbm>>, %arg6: memref<80x128xi32, #tpu.memory_space<vmem>>, %arg7: memref<80x128xi32, #tpu.memory_space<vmem>>, %arg8: memref<128x64xf32, #tpu.memory_space<vmem>>, %arg9: memref<10240x64xf32, #tpu.memory_space<vmem_shared>>, %arg10: memref<!tpu.dma_semaphore, #tpu.memory_space<semaphore_mem>>, %arg11: memref<10240x64xf32, #tpu.memory_space<vmem_shared>>) attributes {dimension_semantics = [#tpu.dimension_semantics<core_parallel>, #tpu.dimension_semantics<subcore_parallel>], iteration_bounds = array<i64: 2, 16>, scalar_prefetch = 0 : i64, scratch_operands = 6 : i64, tpu.core_type = #tpu.core_type<sc_vector_subcore>, window_params = [{transform_indices = #map}, {transform_indices = #map1}, {transform_indices = #map1}, {transform_indices = #map1}]} {
    %mul3A = arith.constant 2 : i32
    %mul3A_0 = arith.muli %arg1, %mul3A : i32
    %add3A = arith.addi %mul3A_0, %arg0 : i32
    %mul3A_1 = arith.constant 640 : i32
    %mul3A_2 = arith.muli %arg1, %mul3A_1 : i32
    "tpu.region"() ({
      %run_scoped3A = tpu.sem_alloc : memref<!tpu.dma_semaphore, #tpu.memory_space<semaphore_mem>>
      %dma_start3A = arith.constant 0 : i32
      %dma_start3A_21 = arith.constant 0 : i32
      %dma_start3A_22 = tpu.memref_slice %arg3[%add3A, %dma_start3A, %dma_start3A_21] : memref<32x80x128xi32, #tpu.memory_space<hbm>> -> memref<1x80x128xi32, #tpu.memory_space<hbm>>
      %dma_start3A_23 = tpu.memref_squeeze %dma_start3A_22 : memref<1x80x128xi32, #tpu.memory_space<hbm>> -> memref<80x128xi32, #tpu.memory_space<hbm>>
      %dma_start3A_24 = arith.constant 0 : i32
      %dma_start3A_25 = arith.constant 0 : i32
      %dma_start3A_26 = tpu.memref_slice %arg3[%add3A, %dma_start3A_24, %dma_start3A_25] : memref<32x80x128xi32, #tpu.memory_space<hbm>> -> memref<1x80x128xi32, #tpu.memory_space<hbm>>
      %dma_start3A_27 = tpu.memref_squeeze %dma_start3A_26 : memref<1x80x128xi32, #tpu.memory_space<hbm>> -> memref<80x128xi32, #tpu.memory_space<hbm>>
      tpu.enqueue_dma source(%dma_start3A_27 : memref<80x128xi32, #tpu.memory_space<hbm>>) target(%arg6 : memref<80x128xi32, #tpu.memory_space<vmem>>) target_semaphore(%run_scoped3A : memref<!tpu.dma_semaphore, #tpu.memory_space<semaphore_mem>>)
      %dma_wait3A = arith.constant 0 : i32
      %dma_wait3A_28 = arith.constant 0 : i32
      %dma_wait3A_29 = tpu.memref_slice %arg3[%add3A, %dma_wait3A, %dma_wait3A_28] : memref<32x80x128xi32, #tpu.memory_space<hbm>> -> memref<1x80x128xi32, #tpu.memory_space<hbm>>
      %dma_wait3A_30 = tpu.memref_squeeze %dma_wait3A_29 : memref<1x80x128xi32, #tpu.memory_space<hbm>> -> memref<80x128xi32, #tpu.memory_space<hbm>>
      %dma_wait3A_31 = arith.constant 0 : i32
      %dma_wait3A_32 = arith.constant 0 : i32
      %dma_wait3A_33 = tpu.memref_slice %arg3[%add3A, %dma_wait3A_31, %dma_wait3A_32] : memref<32x80x128xi32, #tpu.memory_space<hbm>> -> memref<1x80x128xi32, #tpu.memory_space<hbm>>
      %dma_wait3A_34 = tpu.memref_squeeze %dma_wait3A_33 : memref<1x80x128xi32, #tpu.memory_space<hbm>> -> memref<80x128xi32, #tpu.memory_space<hbm>>
      tpu.wait_dma2 semaphore(%run_scoped3A : memref<!tpu.dma_semaphore, #tpu.memory_space<semaphore_mem>>) src(%dma_wait3A_34 : memref<80x128xi32, #tpu.memory_space<hbm>>) dst(%arg6 : memref<80x128xi32, #tpu.memory_space<vmem>>)
      tpu.yield
    }) : () -> ()
    "tpu.region"() ({
      %run_scoped3A = tpu.sem_alloc : memref<!tpu.dma_semaphore, #tpu.memory_space<semaphore_mem>>
      %dma_start3A = arith.constant 0 : i32
      %dma_start3A_21 = arith.constant 0 : i32
      %dma_start3A_22 = tpu.memref_slice %arg4[%add3A, %dma_start3A, %dma_start3A_21] : memref<32x80x128xi32, #tpu.memory_space<hbm>> -> memref<1x80x128xi32, #tpu.memory_space<hbm>>
      %dma_start3A_23 = tpu.memref_squeeze %dma_start3A_22 : memref<1x80x128xi32, #tpu.memory_space<hbm>> -> memref<80x128xi32, #tpu.memory_space<hbm>>
      %dma_start3A_24 = arith.constant 0 : i32
      %dma_start3A_25 = arith.constant 0 : i32
      %dma_start3A_26 = tpu.memref_slice %arg4[%add3A, %dma_start3A_24, %dma_start3A_25] : memref<32x80x128xi32, #tpu.memory_space<hbm>> -> memref<1x80x128xi32, #tpu.memory_space<hbm>>
      %dma_start3A_27 = tpu.memref_squeeze %dma_start3A_26 : memref<1x80x128xi32, #tpu.memory_space<hbm>> -> memref<80x128xi32, #tpu.memory_space<hbm>>
      tpu.enqueue_dma source(%dma_start3A_27 : memref<80x128xi32, #tpu.memory_space<hbm>>) target(%arg7 : memref<80x128xi32, #tpu.memory_space<vmem>>) target_semaphore(%run_scoped3A : memref<!tpu.dma_semaphore, #tpu.memory_space<semaphore_mem>>)
      %dma_wait3A = arith.constant 0 : i32
      %dma_wait3A_28 = arith.constant 0 : i32
      %dma_wait3A_29 = tpu.memref_slice %arg4[%add3A, %dma_wait3A, %dma_wait3A_28] : memref<32x80x128xi32, #tpu.memory_space<hbm>> -> memref<1x80x128xi32, #tpu.memory_space<hbm>>
      %dma_wait3A_30 = tpu.memref_squeeze %dma_wait3A_29 : memref<1x80x128xi32, #tpu.memory_space<hbm>> -> memref<80x128xi32, #tpu.memory_space<hbm>>
      %dma_wait3A_31 = arith.constant 0 : i32
      %dma_wait3A_32 = arith.constant 0 : i32
      %dma_wait3A_33 = tpu.memref_slice %arg4[%add3A, %dma_wait3A_31, %dma_wait3A_32] : memref<32x80x128xi32, #tpu.memory_space<hbm>> -> memref<1x80x128xi32, #tpu.memory_space<hbm>>
      %dma_wait3A_34 = tpu.memref_squeeze %dma_wait3A_33 : memref<1x80x128xi32, #tpu.memory_space<hbm>> -> memref<80x128xi32, #tpu.memory_space<hbm>>
      tpu.wait_dma2 semaphore(%run_scoped3A : memref<!tpu.dma_semaphore, #tpu.memory_space<semaphore_mem>>) src(%dma_wait3A_34 : memref<80x128xi32, #tpu.memory_space<hbm>>) dst(%arg7 : memref<80x128xi32, #tpu.memory_space<vmem>>)
      tpu.yield
    }) : () -> ()
    %scan3A = arith.constant 0 : i32
    %scan3A_3 = arith.constant 0 : i32
    %scan3A_4 = arith.constant 128 : i32
    %scan3A_5 = arith.addi %scan3A_3, %scan3A_4 : i32
    %scan3A_6 = arith.constant 1 : i32
    scf.for %scan3A_21 = %scan3A_3 to %scan3A_5 step %scan3A_6  : i32 {
      %scan3A_22 = arith.constant 0 : i32
      %scan3A_23 = arith.constant 4 : i32
      %scan3A_24 = arith.addi %scan3A_22, %scan3A_23 : i32
      %scan3A_25 = arith.constant 1 : i32
      scf.for %scan3A_27 = %scan3A_22 to %scan3A_24 step %scan3A_25  : i32 {
        %broadcast_in_dim3A = arith.constant 0.000000e+00 : f32
        %broadcast_in_dim3A_28 = vector.broadcast %broadcast_in_dim3A : f32 to vector<16xf32>
        %mul3A_29 = arith.constant 16 : i32
        %mul3A_30 = arith.muli %scan3A_27, %mul3A_29 : i32
        %swap3A = arith.index_cast %scan3A_21 : i32 to index
        %swap3A_31 = arith.index_cast %mul3A_30 : i32 to index
        %swap3A_32 = tpu.vector_load %arg8[%swap3A, %swap3A_31] {strides = array<i32>} : memref<128x64xf32, #tpu.memory_space<vmem>>, vector<16xf32>,
        tpu.vector_store %arg8[%swap3A, %swap3A_31], %broadcast_in_dim3A_28 {strides = array<i32>} : memref<128x64xf32, #tpu.memory_space<vmem>>, vector<16xf32>,
      }
      %scan3A_26 = arith.constant 4 : i32
    }
    %scan3A_7 = arith.constant 128 : i32
    %scan3A_8 = arith.constant 0 : i32
    %scan3A_9 = arith.constant 0 : i32
    %scan3A_10 = arith.constant 5 : i32
    %scan3A_11 = arith.addi %scan3A_9, %scan3A_10 : i32
    %scan3A_12 = arith.constant 1 : i32
    scf.for %scan3A_21 = %scan3A_9 to %scan3A_11 step %scan3A_12  : i32 {
      %mul3A_22 = arith.constant 128 : i32
      %mul3A_23 = arith.muli %scan3A_21, %mul3A_22 : i32
      %add3A_24 = arith.addi %mul3A_2, %mul3A_23 : i32
      "tpu.region"() ({
        %run_scoped3A = tpu.sem_alloc : memref<!tpu.dma_semaphore, #tpu.memory_space<semaphore_mem>>
        %dma_start3A = arith.constant 0 : i32
        %dma_start3A_25 = tpu.memref_slice %arg9[%add3A_24, %dma_start3A] : memref<10240x64xf32, #tpu.memory_space<vmem_shared>> -> memref<128x64xf32, #tpu.memory_space<vmem_shared>>
        %dma_start3A_26 = arith.constant 0 : i32
        %dma_start3A_27 = tpu.memref_slice %arg9[%add3A_24, %dma_start3A_26] : memref<10240x64xf32, #tpu.memory_space<vmem_shared>> -> memref<128x64xf32, #tpu.memory_space<vmem_shared>>
        tpu.enqueue_dma source(%arg8 : memref<128x64xf32, #tpu.memory_space<vmem>>) target(%dma_start3A_27 : memref<128x64xf32, #tpu.memory_space<vmem_shared>>) target_semaphore(%run_scoped3A : memref<!tpu.dma_semaphore, #tpu.memory_space<semaphore_mem>>)
        %dma_wait3A = arith.constant 0 : i32
        %dma_wait3A_28 = tpu.memref_slice %arg9[%add3A_24, %dma_wait3A] : memref<10240x64xf32, #tpu.memory_space<vmem_shared>> -> memref<128x64xf32, #tpu.memory_space<vmem_shared>>
        %dma_wait3A_29 = arith.constant 0 : i32
        %dma_wait3A_30 = tpu.memref_slice %arg9[%add3A_24, %dma_wait3A_29] : memref<10240x64xf32, #tpu.memory_space<vmem_shared>> -> memref<128x64xf32, #tpu.memory_space<vmem_shared>>
        tpu.wait_dma2 semaphore(%run_scoped3A : memref<!tpu.dma_semaphore, #tpu.memory_space<semaphore_mem>>) src(%arg8 : memref<128x64xf32, #tpu.memory_space<vmem>>) dst(%dma_wait3A_30 : memref<128x64xf32, #tpu.memory_space<vmem_shared>>)
        tpu.yield
      }) : () -> ()
    }
    %scan3A_13 = arith.constant 5 : i32
    "tpu.region"() ({
      %run_scoped3A = tpu.sem_alloc : memref<!tpu.dma_semaphore, #tpu.memory_space<semaphore_mem>>
      %dma_start3A = arith.constant 0 : i32
      %dma_start3A_21 = tpu.memref_slice %arg11[%mul3A_2, %dma_start3A] : memref<10240x64xf32, #tpu.memory_space<vmem_shared>> -> memref<640x64xf32, #tpu.memory_space<vmem_shared>>
      %dma_start3A_22 = arith.constant 0 : i32
      %dma_start3A_23 = tpu.memref_slice %arg2[%mul3A_2, %dma_start3A_22] : memref<10240x64xf32, #tpu.memory_space<hbm>> -> memref<640x64xf32, #tpu.memory_space<hbm>>
      tpu.enqueue_dma source(%dma_start3A_23 : memref<640x64xf32, #tpu.memory_space<hbm>>) target(%dma_start3A_21 : memref<640x64xf32, #tpu.memory_space<vmem_shared>>) target_semaphore(%run_scoped3A : memref<!tpu.dma_semaphore, #tpu.memory_space<semaphore_mem>>)
      %dma_wait3A = arith.constant 0 : i32
      %dma_wait3A_24 = tpu.memref_slice %arg11[%mul3A_2, %dma_wait3A] : memref<10240x64xf32, #tpu.memory_space<vmem_shared>> -> memref<640x64xf32, #tpu.memory_space<vmem_shared>>
      %dma_wait3A_25 = arith.constant 0 : i32
      %dma_wait3A_26 = tpu.memref_slice %arg2[%mul3A_2, %dma_wait3A_25] : memref<10240x64xf32, #tpu.memory_space<hbm>> -> memref<640x64xf32, #tpu.memory_space<hbm>>
      tpu.wait_dma2 semaphore(%run_scoped3A : memref<!tpu.dma_semaphore, #tpu.memory_space<semaphore_mem>>) src(%dma_wait3A_26 : memref<640x64xf32, #tpu.memory_space<hbm>>) dst(%dma_wait3A_24 : memref<640x64xf32, #tpu.memory_space<vmem_shared>>)
      tpu.yield
    }) : () -> ()
    %barrier3A = arith.constant 0 : index
    tpu.barrier barrier_id(%barrier3A)
    %scan3A_14 = arith.constant 0 : i32
    %scan3A_15 = arith.constant 0 : i32
    %scan3A_16 = arith.constant 80 : i32
    %scan3A_17 = arith.addi %scan3A_15, %scan3A_16 : i32
    %scan3A_18 = arith.constant 1 : i32
    scf.for %scan3A_21 = %scan3A_15 to %scan3A_17 step %scan3A_18  : i32 {
      %dma_start3A = arith.constant 0 : i32
      %dma_start3A_22 = tpu.memref_slice %arg6[%scan3A_21, %dma_start3A] : memref<80x128xi32, #tpu.memory_space<vmem>> -> memref<1x128xi32, #tpu.memory_space<vmem>>
      %dma_start3A_23 = tpu.memref_squeeze %dma_start3A_22 : memref<1x128xi32, #tpu.memory_space<vmem>> -> memref<128xi32, #tpu.memory_space<vmem>>
      %dma_start3A_24 = arith.constant 0 : i32
      %dma_start3A_25 = arith.constant 0 : i32
      %dma_start3A_26 = tpu.memref_slice %arg11[%dma_start3A_24, %dma_start3A_25] : memref<10240x64xf32, #tpu.memory_space<vmem_shared>> -> memref<10240x64xf32, #tpu.memory_space<vmem_shared>>
      tpu.enqueue_indirect_dma source(%dma_start3A_26 : memref<10240x64xf32, #tpu.memory_space<vmem_shared>>) target(%arg8 : memref<128x64xf32, #tpu.memory_space<vmem>>) offsets(%dma_start3A_23 : memref<128xi32, #tpu.memory_space<vmem>>) semaphore(%arg10 : memref<!tpu.dma_semaphore, #tpu.memory_space<semaphore_mem>>)
      %dma_wait3A = arith.constant 0 : i32
      %dma_wait3A_27 = tpu.memref_slice %arg6[%scan3A_21, %dma_wait3A] : memref<80x128xi32, #tpu.memory_space<vmem>> -> memref<1x128xi32, #tpu.memory_space<vmem>>
      %dma_wait3A_28 = tpu.memref_squeeze %dma_wait3A_27 : memref<1x128xi32, #tpu.memory_space<vmem>> -> memref<128xi32, #tpu.memory_space<vmem>>
      %dma_wait3A_29 = arith.constant 0 : i32
      %dma_wait3A_30 = arith.constant 0 : i32
      %dma_wait3A_31 = tpu.memref_slice %arg11[%dma_wait3A_29, %dma_wait3A_30] : memref<10240x64xf32, #tpu.memory_space<vmem_shared>> -> memref<10240x64xf32, #tpu.memory_space<vmem_shared>>
      tpu.wait_indirect_dma semaphore(%arg10 : memref<!tpu.dma_semaphore, #tpu.memory_space<semaphore_mem>>) src(%dma_wait3A_31 : memref<10240x64xf32, #tpu.memory_space<vmem_shared>>) dst(%arg8 : memref<128x64xf32, #tpu.memory_space<vmem>>)
      "tpu.region"() ({
        %run_scoped3A = tpu.sem_alloc : memref<!tpu.dma_semaphore, #tpu.memory_space<semaphore_mem>>
        %dma_start3A_32 = arith.constant 0 : i32
        %dma_start3A_33 = tpu.memref_slice %arg7[%scan3A_21, %dma_start3A_32] : memref<80x128xi32, #tpu.memory_space<vmem>> -> memref<1x128xi32, #tpu.memory_space<vmem>>
        %dma_start3A_34 = tpu.memref_squeeze %dma_start3A_33 : memref<1x128xi32, #tpu.memory_space<vmem>> -> memref<128xi32, #tpu.memory_space<vmem>>
        %dma_start3A_35 = arith.constant 0 : i32
        %dma_start3A_36 = arith.constant 0 : i32
        %dma_start3A_37 = tpu.memref_slice %arg9[%dma_start3A_35, %dma_start3A_36] : memref<10240x64xf32, #tpu.memory_space<vmem_shared>> -> memref<10240x64xf32, #tpu.memory_space<vmem_shared>>
        tpu.enqueue_indirect_dma source(%arg8 : memref<128x64xf32, #tpu.memory_space<vmem>>) target(%dma_start3A_37 : memref<10240x64xf32, #tpu.memory_space<vmem_shared>>) offsets(%dma_start3A_34 : memref<128xi32, #tpu.memory_space<vmem>>) semaphore(%run_scoped3A : memref<!tpu.dma_semaphore, #tpu.memory_space<semaphore_mem>>) {add = true}
        %dma_wait3A_38 = arith.constant 0 : i32
        %dma_wait3A_39 = tpu.memref_slice %arg7[%scan3A_21, %dma_wait3A_38] : memref<80x128xi32, #tpu.memory_space<vmem>> -> memref<1x128xi32, #tpu.memory_space<vmem>>
        %dma_wait3A_40 = tpu.memref_squeeze %dma_wait3A_39 : memref<1x128xi32, #tpu.memory_space<vmem>> -> memref<128xi32, #tpu.memory_space<vmem>>
        %dma_wait3A_41 = arith.constant 0 : i32
        %dma_wait3A_42 = arith.constant 0 : i32
        %dma_wait3A_43 = tpu.memref_slice %arg9[%dma_wait3A_41, %dma_wait3A_42] : memref<10240x64xf32, #tpu.memory_space<vmem_shared>> -> memref<10240x64xf32, #tpu.memory_space<vmem_shared>>
        tpu.wait_indirect_dma semaphore(%run_scoped3A : memref<!tpu.dma_semaphore, #tpu.memory_space<semaphore_mem>>) src(%arg8 : memref<128x64xf32, #tpu.memory_space<vmem>>) dst(%dma_wait3A_43 : memref<10240x64xf32, #tpu.memory_space<vmem_shared>>)
        tpu.yield
      }) : () -> ()
    }
    %scan3A_19 = arith.constant 80 : i32
    %barrier3A_20 = arith.constant 0 : index
    tpu.barrier barrier_id(%barrier3A_20)
    "tpu.region"() ({
      %run_scoped3A = tpu.sem_alloc : memref<!tpu.dma_semaphore, #tpu.memory_space<semaphore_mem>>
      %dma_start3A = arith.constant 0 : i32
      %dma_start3A_21 = tpu.memref_slice %arg5[%arg0, %mul3A_2, %dma_start3A] : memref<2x10240x64xf32, #tpu.memory_space<hbm>> -> memref<1x640x64xf32, #tpu.memory_space<hbm>>
      %dma_start3A_22 = tpu.memref_squeeze %dma_start3A_21 : memref<1x640x64xf32, #tpu.memory_space<hbm>> -> memref<640x64xf32, #tpu.memory_space<hbm>>
      %dma_start3A_23 = arith.constant 0 : i32
      %dma_start3A_24 = tpu.memref_slice %arg9[%mul3A_2, %dma_start3A_23] : memref<10240x64xf32, #tpu.memory_space<vmem_shared>> -> memref<640x64xf32, #tpu.memory_space<vmem_shared>>
      tpu.enqueue_dma source(%dma_start3A_24 : memref<640x64xf32, #tpu.memory_space<vmem_shared>>) target(%dma_start3A_22 : memref<640x64xf32, #tpu.memory_space<hbm>>) target_semaphore(%run_scoped3A : memref<!tpu.dma_semaphore, #tpu.memory_space<semaphore_mem>>)
      %dma_wait3A = arith.constant 0 : i32
      %dma_wait3A_25 = tpu.memref_slice %arg5[%arg0, %mul3A_2, %dma_wait3A] : memref<2x10240x64xf32, #tpu.memory_space<hbm>> -> memref<1x640x64xf32, #tpu.memory_space<hbm>>
      %dma_wait3A_26 = tpu.memref_squeeze %dma_wait3A_25 : memref<1x640x64xf32, #tpu.memory_space<hbm>> -> memref<640x64xf32, #tpu.memory_space<hbm>>
      %dma_wait3A_27 = arith.constant 0 : i32
      %dma_wait3A_28 = tpu.memref_slice %arg9[%mul3A_2, %dma_wait3A_27] : memref<10240x64xf32, #tpu.memory_space<vmem_shared>> -> memref<640x64xf32, #tpu.memory_space<vmem_shared>>
      tpu.wait_dma2 semaphore(%run_scoped3A : memref<!tpu.dma_semaphore, #tpu.memory_space<semaphore_mem>>) src(%dma_wait3A_28 : memref<640x64xf32, #tpu.memory_space<vmem_shared>>) dst(%dma_wait3A_26 : memref<640x64xf32, #tpu.memory_space<hbm>>)
      tpu.yield
    }) : () -> ()
    return
  }
}

#map = affine_map<(d0, d1) -> (0, 0)>
#map1 = affine_map<(d0, d1) -> (0, 0, 0)>
module attributes {stable_mosaic.version = 14 : i64} {
  func.func @agg(%arg0: i32, %arg1: i32, %arg2: memref<10240x64xf32, #tpu.memory_space<hbm>>, %arg3: memref<32x80x128xi32, #tpu.memory_space<hbm>>, %arg4: memref<32x80x128xi32, #tpu.memory_space<hbm>>, %arg5: memref<2x10240x64xf32, #tpu.memory_space<hbm>>, %arg6: memref<32x10240xf32, #tpu.memory_space<hbm>>, %arg7: memref<80x128xi32, #tpu.memory_space<vmem>>, %arg8: memref<80x128xi32, #tpu.memory_space<vmem>>, %arg9: memref<128x64xf32, #tpu.memory_space<vmem>>, %arg10: memref<10240x64xf32, #tpu.memory_space<vmem_shared>>, %arg11: memref<!tpu.dma_semaphore, #tpu.memory_space<semaphore_mem>>, %arg12: memref<10240xf32, #tpu.memory_space<vmem>>, %arg13: memref<10240x64xf32, #tpu.memory_space<vmem_shared>>) attributes {dimension_semantics = [#tpu.dimension_semantics<core_parallel>, #tpu.dimension_semantics<subcore_parallel>], iteration_bounds = array<i64: 2, 16>, scalar_prefetch = 0 : i64, scratch_operands = 7 : i64, tpu.core_type = #tpu.core_type<sc_vector_subcore>, window_params = [{transform_indices = #map}, {transform_indices = #map1}, {transform_indices = #map1}, {transform_indices = #map1}, {transform_indices = #map}]} {
    %mul3A = arith.constant 2 : i32
    %mul3A_0 = arith.muli %arg1, %mul3A : i32
    %add3A = arith.addi %mul3A_0, %arg0 : i32
    %mul3A_1 = arith.constant 640 : i32
    %mul3A_2 = arith.muli %arg1, %mul3A_1 : i32
    "tpu.region"() ({
      %run_scoped3A = tpu.sem_alloc : memref<!tpu.dma_semaphore, #tpu.memory_space<semaphore_mem>>
      %dma_start3A = arith.constant 0 : i32
      %dma_start3A_27 = arith.constant 0 : i32
      %dma_start3A_28 = tpu.memref_slice %arg3[%add3A, %dma_start3A, %dma_start3A_27] : memref<32x80x128xi32, #tpu.memory_space<hbm>> -> memref<1x80x128xi32, #tpu.memory_space<hbm>>
      %dma_start3A_29 = tpu.memref_squeeze %dma_start3A_28 : memref<1x80x128xi32, #tpu.memory_space<hbm>> -> memref<80x128xi32, #tpu.memory_space<hbm>>
      %dma_start3A_30 = arith.constant 0 : i32
      %dma_start3A_31 = arith.constant 0 : i32
      %dma_start3A_32 = tpu.memref_slice %arg3[%add3A, %dma_start3A_30, %dma_start3A_31] : memref<32x80x128xi32, #tpu.memory_space<hbm>> -> memref<1x80x128xi32, #tpu.memory_space<hbm>>
      %dma_start3A_33 = tpu.memref_squeeze %dma_start3A_32 : memref<1x80x128xi32, #tpu.memory_space<hbm>> -> memref<80x128xi32, #tpu.memory_space<hbm>>
      tpu.enqueue_dma source(%dma_start3A_33 : memref<80x128xi32, #tpu.memory_space<hbm>>) target(%arg7 : memref<80x128xi32, #tpu.memory_space<vmem>>) target_semaphore(%run_scoped3A : memref<!tpu.dma_semaphore, #tpu.memory_space<semaphore_mem>>)
      %dma_wait3A = arith.constant 0 : i32
      %dma_wait3A_34 = arith.constant 0 : i32
      %dma_wait3A_35 = tpu.memref_slice %arg3[%add3A, %dma_wait3A, %dma_wait3A_34] : memref<32x80x128xi32, #tpu.memory_space<hbm>> -> memref<1x80x128xi32, #tpu.memory_space<hbm>>
      %dma_wait3A_36 = tpu.memref_squeeze %dma_wait3A_35 : memref<1x80x128xi32, #tpu.memory_space<hbm>> -> memref<80x128xi32, #tpu.memory_space<hbm>>
      %dma_wait3A_37 = arith.constant 0 : i32
      %dma_wait3A_38 = arith.constant 0 : i32
      %dma_wait3A_39 = tpu.memref_slice %arg3[%add3A, %dma_wait3A_37, %dma_wait3A_38] : memref<32x80x128xi32, #tpu.memory_space<hbm>> -> memref<1x80x128xi32, #tpu.memory_space<hbm>>
      %dma_wait3A_40 = tpu.memref_squeeze %dma_wait3A_39 : memref<1x80x128xi32, #tpu.memory_space<hbm>> -> memref<80x128xi32, #tpu.memory_space<hbm>>
      tpu.wait_dma2 semaphore(%run_scoped3A : memref<!tpu.dma_semaphore, #tpu.memory_space<semaphore_mem>>) src(%dma_wait3A_40 : memref<80x128xi32, #tpu.memory_space<hbm>>) dst(%arg7 : memref<80x128xi32, #tpu.memory_space<vmem>>)
      tpu.yield
    }) : () -> ()
    "tpu.region"() ({
      %run_scoped3A = tpu.sem_alloc : memref<!tpu.dma_semaphore, #tpu.memory_space<semaphore_mem>>
      %dma_start3A = arith.constant 0 : i32
      %dma_start3A_27 = arith.constant 0 : i32
      %dma_start3A_28 = tpu.memref_slice %arg4[%add3A, %dma_start3A, %dma_start3A_27] : memref<32x80x128xi32, #tpu.memory_space<hbm>> -> memref<1x80x128xi32, #tpu.memory_space<hbm>>
      %dma_start3A_29 = tpu.memref_squeeze %dma_start3A_28 : memref<1x80x128xi32, #tpu.memory_space<hbm>> -> memref<80x128xi32, #tpu.memory_space<hbm>>
      %dma_start3A_30 = arith.constant 0 : i32
      %dma_start3A_31 = arith.constant 0 : i32
      %dma_start3A_32 = tpu.memref_slice %arg4[%add3A, %dma_start3A_30, %dma_start3A_31] : memref<32x80x128xi32, #tpu.memory_space<hbm>> -> memref<1x80x128xi32, #tpu.memory_space<hbm>>
      %dma_start3A_33 = tpu.memref_squeeze %dma_start3A_32 : memref<1x80x128xi32, #tpu.memory_space<hbm>> -> memref<80x128xi32, #tpu.memory_space<hbm>>
      tpu.enqueue_dma source(%dma_start3A_33 : memref<80x128xi32, #tpu.memory_space<hbm>>) target(%arg8 : memref<80x128xi32, #tpu.memory_space<vmem>>) target_semaphore(%run_scoped3A : memref<!tpu.dma_semaphore, #tpu.memory_space<semaphore_mem>>)
      %dma_wait3A = arith.constant 0 : i32
      %dma_wait3A_34 = arith.constant 0 : i32
      %dma_wait3A_35 = tpu.memref_slice %arg4[%add3A, %dma_wait3A, %dma_wait3A_34] : memref<32x80x128xi32, #tpu.memory_space<hbm>> -> memref<1x80x128xi32, #tpu.memory_space<hbm>>
      %dma_wait3A_36 = tpu.memref_squeeze %dma_wait3A_35 : memref<1x80x128xi32, #tpu.memory_space<hbm>> -> memref<80x128xi32, #tpu.memory_space<hbm>>
      %dma_wait3A_37 = arith.constant 0 : i32
      %dma_wait3A_38 = arith.constant 0 : i32
      %dma_wait3A_39 = tpu.memref_slice %arg4[%add3A, %dma_wait3A_37, %dma_wait3A_38] : memref<32x80x128xi32, #tpu.memory_space<hbm>> -> memref<1x80x128xi32, #tpu.memory_space<hbm>>
      %dma_wait3A_40 = tpu.memref_squeeze %dma_wait3A_39 : memref<1x80x128xi32, #tpu.memory_space<hbm>> -> memref<80x128xi32, #tpu.memory_space<hbm>>
      tpu.wait_dma2 semaphore(%run_scoped3A : memref<!tpu.dma_semaphore, #tpu.memory_space<semaphore_mem>>) src(%dma_wait3A_40 : memref<80x128xi32, #tpu.memory_space<hbm>>) dst(%arg8 : memref<80x128xi32, #tpu.memory_space<vmem>>)
      tpu.yield
    }) : () -> ()
    %scan3A = arith.constant 0 : i32
    %scan3A_3 = arith.constant 0 : i32
    %scan3A_4 = arith.constant 128 : i32
    %scan3A_5 = arith.addi %scan3A_3, %scan3A_4 : i32
    %scan3A_6 = arith.constant 1 : i32
    scf.for %scan3A_27 = %scan3A_3 to %scan3A_5 step %scan3A_6  : i32 {
      %scan3A_28 = arith.constant 0 : i32
      %scan3A_29 = arith.constant 4 : i32
      %scan3A_30 = arith.addi %scan3A_28, %scan3A_29 : i32
      %scan3A_31 = arith.constant 1 : i32
      scf.for %scan3A_33 = %scan3A_28 to %scan3A_30 step %scan3A_31  : i32 {
        %broadcast_in_dim3A = arith.constant 0.000000e+00 : f32
        %broadcast_in_dim3A_34 = vector.broadcast %broadcast_in_dim3A : f32 to vector<16xf32>
        %mul3A_35 = arith.constant 16 : i32
        %mul3A_36 = arith.muli %scan3A_33, %mul3A_35 : i32
        %swap3A = arith.index_cast %scan3A_27 : i32 to index
        %swap3A_37 = arith.index_cast %mul3A_36 : i32 to index
        %swap3A_38 = tpu.vector_load %arg9[%swap3A, %swap3A_37] {strides = array<i32>} : memref<128x64xf32, #tpu.memory_space<vmem>>, vector<16xf32>,
        tpu.vector_store %arg9[%swap3A, %swap3A_37], %broadcast_in_dim3A_34 {strides = array<i32>} : memref<128x64xf32, #tpu.memory_space<vmem>>, vector<16xf32>,
      }
      %scan3A_32 = arith.constant 4 : i32
    }
    %scan3A_7 = arith.constant 128 : i32
    %scan3A_8 = arith.constant 0 : i32
    %scan3A_9 = arith.constant 0 : i32
    %scan3A_10 = arith.constant 5 : i32
    %scan3A_11 = arith.addi %scan3A_9, %scan3A_10 : i32
    %scan3A_12 = arith.constant 1 : i32
    scf.for %scan3A_27 = %scan3A_9 to %scan3A_11 step %scan3A_12  : i32 {
      %mul3A_28 = arith.constant 128 : i32
      %mul3A_29 = arith.muli %scan3A_27, %mul3A_28 : i32
      %add3A_30 = arith.addi %mul3A_2, %mul3A_29 : i32
      "tpu.region"() ({
        %run_scoped3A = tpu.sem_alloc : memref<!tpu.dma_semaphore, #tpu.memory_space<semaphore_mem>>
        %dma_start3A = arith.constant 0 : i32
        %dma_start3A_31 = tpu.memref_slice %arg10[%add3A_30, %dma_start3A] : memref<10240x64xf32, #tpu.memory_space<vmem_shared>> -> memref<128x64xf32, #tpu.memory_space<vmem_shared>>
        %dma_start3A_32 = arith.constant 0 : i32
        %dma_start3A_33 = tpu.memref_slice %arg10[%add3A_30, %dma_start3A_32] : memref<10240x64xf32, #tpu.memory_space<vmem_shared>> -> memref<128x64xf32, #tpu.memory_space<vmem_shared>>
        tpu.enqueue_dma source(%arg9 : memref<128x64xf32, #tpu.memory_space<vmem>>) target(%dma_start3A_33 : memref<128x64xf32, #tpu.memory_space<vmem_shared>>) target_semaphore(%run_scoped3A : memref<!tpu.dma_semaphore, #tpu.memory_space<semaphore_mem>>)
        %dma_wait3A = arith.constant 0 : i32
        %dma_wait3A_34 = tpu.memref_slice %arg10[%add3A_30, %dma_wait3A] : memref<10240x64xf32, #tpu.memory_space<vmem_shared>> -> memref<128x64xf32, #tpu.memory_space<vmem_shared>>
        %dma_wait3A_35 = arith.constant 0 : i32
        %dma_wait3A_36 = tpu.memref_slice %arg10[%add3A_30, %dma_wait3A_35] : memref<10240x64xf32, #tpu.memory_space<vmem_shared>> -> memref<128x64xf32, #tpu.memory_space<vmem_shared>>
        tpu.wait_dma2 semaphore(%run_scoped3A : memref<!tpu.dma_semaphore, #tpu.memory_space<semaphore_mem>>) src(%arg9 : memref<128x64xf32, #tpu.memory_space<vmem>>) dst(%dma_wait3A_36 : memref<128x64xf32, #tpu.memory_space<vmem_shared>>)
        tpu.yield
      }) : () -> ()
    }
    %scan3A_13 = arith.constant 5 : i32
    "tpu.region"() ({
      %run_scoped3A = tpu.sem_alloc : memref<!tpu.dma_semaphore, #tpu.memory_space<semaphore_mem>>
      %dma_start3A = arith.constant 0 : i32
      %dma_start3A_27 = tpu.memref_slice %arg13[%mul3A_2, %dma_start3A] : memref<10240x64xf32, #tpu.memory_space<vmem_shared>> -> memref<640x64xf32, #tpu.memory_space<vmem_shared>>
      %dma_start3A_28 = arith.constant 0 : i32
      %dma_start3A_29 = tpu.memref_slice %arg2[%mul3A_2, %dma_start3A_28] : memref<10240x64xf32, #tpu.memory_space<hbm>> -> memref<640x64xf32, #tpu.memory_space<hbm>>
      tpu.enqueue_dma source(%dma_start3A_29 : memref<640x64xf32, #tpu.memory_space<hbm>>) target(%dma_start3A_27 : memref<640x64xf32, #tpu.memory_space<vmem_shared>>) target_semaphore(%run_scoped3A : memref<!tpu.dma_semaphore, #tpu.memory_space<semaphore_mem>>)
      %dma_wait3A = arith.constant 0 : i32
      %dma_wait3A_30 = tpu.memref_slice %arg13[%mul3A_2, %dma_wait3A] : memref<10240x64xf32, #tpu.memory_space<vmem_shared>> -> memref<640x64xf32, #tpu.memory_space<vmem_shared>>
      %dma_wait3A_31 = arith.constant 0 : i32
      %dma_wait3A_32 = tpu.memref_slice %arg2[%mul3A_2, %dma_wait3A_31] : memref<10240x64xf32, #tpu.memory_space<hbm>> -> memref<640x64xf32, #tpu.memory_space<hbm>>
      tpu.wait_dma2 semaphore(%run_scoped3A : memref<!tpu.dma_semaphore, #tpu.memory_space<semaphore_mem>>) src(%dma_wait3A_32 : memref<640x64xf32, #tpu.memory_space<hbm>>) dst(%dma_wait3A_30 : memref<640x64xf32, #tpu.memory_space<vmem_shared>>)
      tpu.yield
    }) : () -> ()
    %scan3A_14 = arith.constant 0 : i32
    %scan3A_15 = arith.constant 0 : i32
    %scan3A_16 = arith.constant 640 : i32
    %scan3A_17 = arith.addi %scan3A_15, %scan3A_16 : i32
    %scan3A_18 = arith.constant 1 : i32
    scf.for %scan3A_27 = %scan3A_15 to %scan3A_17 step %scan3A_18  : i32 {
      %broadcast_in_dim3A = arith.constant 0.000000e+00 : f32
      %broadcast_in_dim3A_28 = vector.broadcast %broadcast_in_dim3A : f32 to vector<16xf32>
      %mul3A_29 = arith.constant 16 : i32
      %mul3A_30 = arith.muli %scan3A_27, %mul3A_29 : i32
      %swap3A = arith.index_cast %mul3A_30 : i32 to index
      %swap3A_31 = tpu.vector_load %arg12[%swap3A] {strides = array<i32>} : memref<10240xf32, #tpu.memory_space<vmem>>, vector<16xf32>,
      tpu.vector_store %arg12[%swap3A], %broadcast_in_dim3A_28 {strides = array<i32>} : memref<10240xf32, #tpu.memory_space<vmem>>, vector<16xf32>,
    }
    %scan3A_19 = arith.constant 640 : i32
    %barrier3A = arith.constant 0 : index
    tpu.barrier barrier_id(%barrier3A)
    %scan3A_20 = arith.constant 0 : i32
    %scan3A_21 = arith.constant 0 : i32
    %scan3A_22 = arith.constant 80 : i32
    %scan3A_23 = arith.addi %scan3A_21, %scan3A_22 : i32
    %scan3A_24 = arith.constant 1 : i32
    scf.for %scan3A_27 = %scan3A_21 to %scan3A_23 step %scan3A_24  : i32 {
      %dma_start3A = arith.constant 0 : i32
      %dma_start3A_28 = tpu.memref_slice %arg7[%scan3A_27, %dma_start3A] : memref<80x128xi32, #tpu.memory_space<vmem>> -> memref<1x128xi32, #tpu.memory_space<vmem>>
      %dma_start3A_29 = tpu.memref_squeeze %dma_start3A_28 : memref<1x128xi32, #tpu.memory_space<vmem>> -> memref<128xi32, #tpu.memory_space<vmem>>
      %dma_start3A_30 = arith.constant 0 : i32
      %dma_start3A_31 = arith.constant 0 : i32
      %dma_start3A_32 = tpu.memref_slice %arg13[%dma_start3A_30, %dma_start3A_31] : memref<10240x64xf32, #tpu.memory_space<vmem_shared>> -> memref<10240x64xf32, #tpu.memory_space<vmem_shared>>
      tpu.enqueue_indirect_dma source(%dma_start3A_32 : memref<10240x64xf32, #tpu.memory_space<vmem_shared>>) target(%arg9 : memref<128x64xf32, #tpu.memory_space<vmem>>) offsets(%dma_start3A_29 : memref<128xi32, #tpu.memory_space<vmem>>) semaphore(%arg11 : memref<!tpu.dma_semaphore, #tpu.memory_space<semaphore_mem>>)
      %get3A = arith.index_cast %scan3A_27 : i32 to index
      %get3A_33 = arith.constant 0 : index
      %get3A_34 = tpu.vector_load %arg8[%get3A, %get3A_33] {strides = array<i32>} : memref<80x128xi32, #tpu.memory_space<vmem>>, vector<16xi32>,
      %broadcast_in_dim3A = arith.constant true
      %broadcast_in_dim3A_35 = vector.broadcast %broadcast_in_dim3A : i1 to vector<16xi1>
      %unique3A, %unique3A_36 = tpu.scan_count mask(%broadcast_in_dim3A_35 : vector<16xi1>) value(%get3A_34 : vector<16xi32>) : vector<16xi1>, vector<16xi32>
      %convert_element_type3A = arith.sitofp %unique3A_36 : vector<16xi32> to vector<16xf32>
      tpu.vector_store_idx %arg12[%get3A_34], %convert_element_type3A masked %unique3A {add = true} : memref<10240xf32, #tpu.memory_space<vmem>>[vector<16xi32>], vector<16xf32>, vector<16xi1>
      %get3A_37 = arith.index_cast %scan3A_27 : i32 to index
      %get3A_38 = arith.constant 16 : index
      %get3A_39 = tpu.vector_load %arg8[%get3A_37, %get3A_38] {strides = array<i32>} : memref<80x128xi32, #tpu.memory_space<vmem>>, vector<16xi32>,
      %broadcast_in_dim3A_40 = arith.constant true
      %broadcast_in_dim3A_41 = vector.broadcast %broadcast_in_dim3A_40 : i1 to vector<16xi1>
      %unique3A_42, %unique3A_43 = tpu.scan_count mask(%broadcast_in_dim3A_41 : vector<16xi1>) value(%get3A_39 : vector<16xi32>) : vector<16xi1>, vector<16xi32>
      %convert_element_type3A_44 = arith.sitofp %unique3A_43 : vector<16xi32> to vector<16xf32>
      tpu.vector_store_idx %arg12[%get3A_39], %convert_element_type3A_44 masked %unique3A_42 {add = true} : memref<10240xf32, #tpu.memory_space<vmem>>[vector<16xi32>], vector<16xf32>, vector<16xi1>
      %get3A_45 = arith.index_cast %scan3A_27 : i32 to index
      %get3A_46 = arith.constant 32 : index
      %get3A_47 = tpu.vector_load %arg8[%get3A_45, %get3A_46] {strides = array<i32>} : memref<80x128xi32, #tpu.memory_space<vmem>>, vector<16xi32>,
      %broadcast_in_dim3A_48 = arith.constant true
      %broadcast_in_dim3A_49 = vector.broadcast %broadcast_in_dim3A_48 : i1 to vector<16xi1>
      %unique3A_50, %unique3A_51 = tpu.scan_count mask(%broadcast_in_dim3A_49 : vector<16xi1>) value(%get3A_47 : vector<16xi32>) : vector<16xi1>, vector<16xi32>
      %convert_element_type3A_52 = arith.sitofp %unique3A_51 : vector<16xi32> to vector<16xf32>
      tpu.vector_store_idx %arg12[%get3A_47], %convert_element_type3A_52 masked %unique3A_50 {add = true} : memref<10240xf32, #tpu.memory_space<vmem>>[vector<16xi32>], vector<16xf32>, vector<16xi1>
      %get3A_53 = arith.index_cast %scan3A_27 : i32 to index
      %get3A_54 = arith.constant 48 : index
      %get3A_55 = tpu.vector_load %arg8[%get3A_53, %get3A_54] {strides = array<i32>} : memref<80x128xi32, #tpu.memory_space<vmem>>, vector<16xi32>,
      %broadcast_in_dim3A_56 = arith.constant true
      %broadcast_in_dim3A_57 = vector.broadcast %broadcast_in_dim3A_56 : i1 to vector<16xi1>
      %unique3A_58, %unique3A_59 = tpu.scan_count mask(%broadcast_in_dim3A_57 : vector<16xi1>) value(%get3A_55 : vector<16xi32>) : vector<16xi1>, vector<16xi32>
      %convert_element_type3A_60 = arith.sitofp %unique3A_59 : vector<16xi32> to vector<16xf32>
      tpu.vector_store_idx %arg12[%get3A_55], %convert_element_type3A_60 masked %unique3A_58 {add = true} : memref<10240xf32, #tpu.memory_space<vmem>>[vector<16xi32>], vector<16xf32>, vector<16xi1>
      %get3A_61 = arith.index_cast %scan3A_27 : i32 to index
      %get3A_62 = arith.constant 64 : index
      %get3A_63 = tpu.vector_load %arg8[%get3A_61, %get3A_62] {strides = array<i32>} : memref<80x128xi32, #tpu.memory_space<vmem>>, vector<16xi32>,
      %broadcast_in_dim3A_64 = arith.constant true
      %broadcast_in_dim3A_65 = vector.broadcast %broadcast_in_dim3A_64 : i1 to vector<16xi1>
      %unique3A_66, %unique3A_67 = tpu.scan_count mask(%broadcast_in_dim3A_65 : vector<16xi1>) value(%get3A_63 : vector<16xi32>) : vector<16xi1>, vector<16xi32>
      %convert_element_type3A_68 = arith.sitofp %unique3A_67 : vector<16xi32> to vector<16xf32>
      tpu.vector_store_idx %arg12[%get3A_63], %convert_element_type3A_68 masked %unique3A_66 {add = true} : memref<10240xf32, #tpu.memory_space<vmem>>[vector<16xi32>], vector<16xf32>, vector<16xi1>
      %get3A_69 = arith.index_cast %scan3A_27 : i32 to index
      %get3A_70 = arith.constant 80 : index
      %get3A_71 = tpu.vector_load %arg8[%get3A_69, %get3A_70] {strides = array<i32>} : memref<80x128xi32, #tpu.memory_space<vmem>>, vector<16xi32>,
      %broadcast_in_dim3A_72 = arith.constant true
      %broadcast_in_dim3A_73 = vector.broadcast %broadcast_in_dim3A_72 : i1 to vector<16xi1>
      %unique3A_74, %unique3A_75 = tpu.scan_count mask(%broadcast_in_dim3A_73 : vector<16xi1>) value(%get3A_71 : vector<16xi32>) : vector<16xi1>, vector<16xi32>
      %convert_element_type3A_76 = arith.sitofp %unique3A_75 : vector<16xi32> to vector<16xf32>
      tpu.vector_store_idx %arg12[%get3A_71], %convert_element_type3A_76 masked %unique3A_74 {add = true} : memref<10240xf32, #tpu.memory_space<vmem>>[vector<16xi32>], vector<16xf32>, vector<16xi1>
      %get3A_77 = arith.index_cast %scan3A_27 : i32 to index
      %get3A_78 = arith.constant 96 : index
      %get3A_79 = tpu.vector_load %arg8[%get3A_77, %get3A_78] {strides = array<i32>} : memref<80x128xi32, #tpu.memory_space<vmem>>, vector<16xi32>,
      %broadcast_in_dim3A_80 = arith.constant true
      %broadcast_in_dim3A_81 = vector.broadcast %broadcast_in_dim3A_80 : i1 to vector<16xi1>
      %unique3A_82, %unique3A_83 = tpu.scan_count mask(%broadcast_in_dim3A_81 : vector<16xi1>) value(%get3A_79 : vector<16xi32>) : vector<16xi1>, vector<16xi32>
      %convert_element_type3A_84 = arith.sitofp %unique3A_83 : vector<16xi32> to vector<16xf32>
      tpu.vector_store_idx %arg12[%get3A_79], %convert_element_type3A_84 masked %unique3A_82 {add = true} : memref<10240xf32, #tpu.memory_space<vmem>>[vector<16xi32>], vector<16xf32>, vector<16xi1>
      %get3A_85 = arith.index_cast %scan3A_27 : i32 to index
      %get3A_86 = arith.constant 112 : index
      %get3A_87 = tpu.vector_load %arg8[%get3A_85, %get3A_86] {strides = array<i32>} : memref<80x128xi32, #tpu.memory_space<vmem>>, vector<16xi32>,
      %broadcast_in_dim3A_88 = arith.constant true
      %broadcast_in_dim3A_89 = vector.broadcast %broadcast_in_dim3A_88 : i1 to vector<16xi1>
      %unique3A_90, %unique3A_91 = tpu.scan_count mask(%broadcast_in_dim3A_89 : vector<16xi1>) value(%get3A_87 : vector<16xi32>) : vector<16xi1>, vector<16xi32>
      %convert_element_type3A_92 = arith.sitofp %unique3A_91 : vector<16xi32> to vector<16xf32>
      tpu.vector_store_idx %arg12[%get3A_87], %convert_element_type3A_92 masked %unique3A_90 {add = true} : memref<10240xf32, #tpu.memory_space<vmem>>[vector<16xi32>], vector<16xf32>, vector<16xi1>
      %dma_wait3A = arith.constant 0 : i32
      %dma_wait3A_93 = tpu.memref_slice %arg7[%scan3A_27, %dma_wait3A] : memref<80x128xi32, #tpu.memory_space<vmem>> -> memref<1x128xi32, #tpu.memory_space<vmem>>
      %dma_wait3A_94 = tpu.memref_squeeze %dma_wait3A_93 : memref<1x128xi32, #tpu.memory_space<vmem>> -> memref<128xi32, #tpu.memory_space<vmem>>
      %dma_wait3A_95 = arith.constant 0 : i32
      %dma_wait3A_96 = arith.constant 0 : i32
      %dma_wait3A_97 = tpu.memref_slice %arg13[%dma_wait3A_95, %dma_wait3A_96] : memref<10240x64xf32, #tpu.memory_space<vmem_shared>> -> memref<10240x64xf32, #tpu.memory_space<vmem_shared>>
      tpu.wait_indirect_dma semaphore(%arg11 : memref<!tpu.dma_semaphore, #tpu.memory_space<semaphore_mem>>) src(%dma_wait3A_97 : memref<10240x64xf32, #tpu.memory_space<vmem_shared>>) dst(%arg9 : memref<128x64xf32, #tpu.memory_space<vmem>>)
      "tpu.region"() ({
        %run_scoped3A = tpu.sem_alloc : memref<!tpu.dma_semaphore, #tpu.memory_space<semaphore_mem>>
        %dma_start3A_98 = arith.constant 0 : i32
        %dma_start3A_99 = tpu.memref_slice %arg8[%scan3A_27, %dma_start3A_98] : memref<80x128xi32, #tpu.memory_space<vmem>> -> memref<1x128xi32, #tpu.memory_space<vmem>>
        %dma_start3A_100 = tpu.memref_squeeze %dma_start3A_99 : memref<1x128xi32, #tpu.memory_space<vmem>> -> memref<128xi32, #tpu.memory_space<vmem>>
        %dma_start3A_101 = arith.constant 0 : i32
        %dma_start3A_102 = arith.constant 0 : i32
        %dma_start3A_103 = tpu.memref_slice %arg10[%dma_start3A_101, %dma_start3A_102] : memref<10240x64xf32, #tpu.memory_space<vmem_shared>> -> memref<10240x64xf32, #tpu.memory_space<vmem_shared>>
        tpu.enqueue_indirect_dma source(%arg9 : memref<128x64xf32, #tpu.memory_space<vmem>>) target(%dma_start3A_103 : memref<10240x64xf32, #tpu.memory_space<vmem_shared>>) offsets(%dma_start3A_100 : memref<128xi32, #tpu.memory_space<vmem>>) semaphore(%run_scoped3A : memref<!tpu.dma_semaphore, #tpu.memory_space<semaphore_mem>>) {add = true}
        %dma_wait3A_104 = arith.constant 0 : i32
        %dma_wait3A_105 = tpu.memref_slice %arg8[%scan3A_27, %dma_wait3A_104] : memref<80x128xi32, #tpu.memory_space<vmem>> -> memref<1x128xi32, #tpu.memory_space<vmem>>
        %dma_wait3A_106 = tpu.memref_squeeze %dma_wait3A_105 : memref<1x128xi32, #tpu.memory_space<vmem>> -> memref<128xi32, #tpu.memory_space<vmem>>
        %dma_wait3A_107 = arith.constant 0 : i32
        %dma_wait3A_108 = arith.constant 0 : i32
        %dma_wait3A_109 = tpu.memref_slice %arg10[%dma_wait3A_107, %dma_wait3A_108] : memref<10240x64xf32, #tpu.memory_space<vmem_shared>> -> memref<10240x64xf32, #tpu.memory_space<vmem_shared>>
        tpu.wait_indirect_dma semaphore(%run_scoped3A : memref<!tpu.dma_semaphore, #tpu.memory_space<semaphore_mem>>) src(%arg9 : memref<128x64xf32, #tpu.memory_space<vmem>>) dst(%dma_wait3A_109 : memref<10240x64xf32, #tpu.memory_space<vmem_shared>>)
        tpu.yield
      }) : () -> ()
    }
    %scan3A_25 = arith.constant 80 : i32
    "tpu.region"() ({
      %run_scoped3A = tpu.sem_alloc : memref<!tpu.dma_semaphore, #tpu.memory_space<semaphore_mem>>
      %dma_start3A = arith.constant 0 : i32
      %dma_start3A_27 = tpu.memref_slice %arg6[%add3A, %dma_start3A] : memref<32x10240xf32, #tpu.memory_space<hbm>> -> memref<1x10240xf32, #tpu.memory_space<hbm>>
      %dma_start3A_28 = tpu.memref_squeeze %dma_start3A_27 : memref<1x10240xf32, #tpu.memory_space<hbm>> -> memref<10240xf32, #tpu.memory_space<hbm>>
      %dma_start3A_29 = arith.constant 0 : i32
      %dma_start3A_30 = tpu.memref_slice %arg6[%add3A, %dma_start3A_29] : memref<32x10240xf32, #tpu.memory_space<hbm>> -> memref<1x10240xf32, #tpu.memory_space<hbm>>
      %dma_start3A_31 = tpu.memref_squeeze %dma_start3A_30 : memref<1x10240xf32, #tpu.memory_space<hbm>> -> memref<10240xf32, #tpu.memory_space<hbm>>
      tpu.enqueue_dma source(%arg12 : memref<10240xf32, #tpu.memory_space<vmem>>) target(%dma_start3A_31 : memref<10240xf32, #tpu.memory_space<hbm>>) target_semaphore(%run_scoped3A : memref<!tpu.dma_semaphore, #tpu.memory_space<semaphore_mem>>)
      %dma_wait3A = arith.constant 0 : i32
      %dma_wait3A_32 = tpu.memref_slice %arg6[%add3A, %dma_wait3A] : memref<32x10240xf32, #tpu.memory_space<hbm>> -> memref<1x10240xf32, #tpu.memory_space<hbm>>
      %dma_wait3A_33 = tpu.memref_squeeze %dma_wait3A_32 : memref<1x10240xf32, #tpu.memory_space<hbm>> -> memref<10240xf32, #tpu.memory_space<hbm>>
      %dma_wait3A_34 = arith.constant 0 : i32
      %dma_wait3A_35 = tpu.memref_slice %arg6[%add3A, %dma_wait3A_34] : memref<32x10240xf32, #tpu.memory_space<hbm>> -> memref<1x10240xf32, #tpu.memory_space<hbm>>
      %dma_wait3A_36 = tpu.memref_squeeze %dma_wait3A_35 : memref<1x10240xf32, #tpu.memory_space<hbm>> -> memref<10240xf32, #tpu.memory_space<hbm>>
      tpu.wait_dma2 semaphore(%run_scoped3A : memref<!tpu.dma_semaphore, #tpu.memory_space<semaphore_mem>>) src(%arg12 : memref<10240xf32, #tpu.memory_space<vmem>>) dst(%dma_wait3A_36 : memref<10240xf32, #tpu.memory_space<hbm>>)
      tpu.yield
    }) : () -> ()
    %barrier3A_26 = arith.constant 0 : index
    tpu.barrier barrier_id(%barrier3A_26)
    "tpu.region"() ({
      %run_scoped3A = tpu.sem_alloc : memref<!tpu.dma_semaphore, #tpu.memory_space<semaphore_mem>>
      %dma_start3A = arith.constant 0 : i32
      %dma_start3A_27 = tpu.memref_slice %arg5[%arg0, %mul3A_2, %dma_start3A] : memref<2x10240x64xf32, #tpu.memory_space<hbm>> -> memref<1x640x64xf32, #tpu.memory_space<hbm>>
      %dma_start3A_28 = tpu.memref_squeeze %dma_start3A_27 : memref<1x640x64xf32, #tpu.memory_space<hbm>> -> memref<640x64xf32, #tpu.memory_space<hbm>>
      %dma_start3A_29 = arith.constant 0 : i32
      %dma_start3A_30 = tpu.memref_slice %arg10[%mul3A_2, %dma_start3A_29] : memref<10240x64xf32, #tpu.memory_space<vmem_shared>> -> memref<640x64xf32, #tpu.memory_space<vmem_shared>>
      tpu.enqueue_dma source(%dma_start3A_30 : memref<640x64xf32, #tpu.memory_space<vmem_shared>>) target(%dma_start3A_28 : memref<640x64xf32, #tpu.memory_space<hbm>>) target_semaphore(%run_scoped3A : memref<!tpu.dma_semaphore, #tpu.memory_space<semaphore_mem>>)
      %dma_wait3A = arith.constant 0 : i32
      %dma_wait3A_31 = tpu.memref_slice %arg5[%arg0, %mul3A_2, %dma_wait3A] : memref<2x10240x64xf32, #tpu.memory_space<hbm>> -> memref<1x640x64xf32, #tpu.memory_space<hbm>>
      %dma_wait3A_32 = tpu.memref_squeeze %dma_wait3A_31 : memref<1x640x64xf32, #tpu.memory_space<hbm>> -> memref<640x64xf32, #tpu.memory_space<hbm>>
      %dma_wait3A_33 = arith.constant 0 : i32
      %dma_wait3A_34 = tpu.memref_slice %arg10[%mul3A_2, %dma_wait3A_33] : memref<10240x64xf32, #tpu.memory_space<vmem_shared>> -> memref<640x64xf32, #tpu.memory_space<vmem_shared>>
      tpu.wait_dma2 semaphore(%run_scoped3A : memref<!tpu.dma_semaphore, #tpu.memory_space<semaphore_mem>>) src(%dma_wait3A_34 : memref<640x64xf32, #tpu.memory_space<vmem_shared>>) dst(%dma_wait3A_32 : memref<640x64xf32, #tpu.memory_space<hbm>>)
      tpu.yield
    }) : () -> ()
    return
  }
}

#map = affine_map<(d0, d1) -> (0, 0)>
#map1 = affine_map<(d0, d1) -> (0, 0, 0)>
module attributes {stable_mosaic.version = 14 : i64} {
  func.func @agg(%arg0: i32, %arg1: i32, %arg2: memref<10240x48xf32, #tpu.memory_space<hbm>>, %arg3: memref<32x80x128xi32, #tpu.memory_space<hbm>>, %arg4: memref<32x80x128xi32, #tpu.memory_space<hbm>>, %arg5: memref<2x10240x48xf32, #tpu.memory_space<hbm>>, %arg6: memref<80x128xi32, #tpu.memory_space<vmem>>, %arg7: memref<80x128xi32, #tpu.memory_space<vmem>>, %arg8: memref<128x48xf32, #tpu.memory_space<vmem>>, %arg9: memref<10240x48xf32, #tpu.memory_space<vmem_shared>>, %arg10: memref<!tpu.dma_semaphore, #tpu.memory_space<semaphore_mem>>, %arg11: memref<10240x48xf32, #tpu.memory_space<vmem_shared>>) attributes {dimension_semantics = [#tpu.dimension_semantics<core_parallel>, #tpu.dimension_semantics<subcore_parallel>], iteration_bounds = array<i64: 2, 16>, scalar_prefetch = 0 : i64, scratch_operands = 6 : i64, tpu.core_type = #tpu.core_type<sc_vector_subcore>, window_params = [{transform_indices = #map}, {transform_indices = #map1}, {transform_indices = #map1}, {transform_indices = #map1}]} {
    %mul3A = arith.constant 2 : i32
    %mul3A_0 = arith.muli %arg1, %mul3A : i32
    %add3A = arith.addi %mul3A_0, %arg0 : i32
    %mul3A_1 = arith.constant 640 : i32
    %mul3A_2 = arith.muli %arg1, %mul3A_1 : i32
    "tpu.region"() ({
      %run_scoped3A = tpu.sem_alloc : memref<!tpu.dma_semaphore, #tpu.memory_space<semaphore_mem>>
      %dma_start3A = arith.constant 0 : i32
      %dma_start3A_21 = arith.constant 0 : i32
      %dma_start3A_22 = tpu.memref_slice %arg3[%add3A, %dma_start3A, %dma_start3A_21] : memref<32x80x128xi32, #tpu.memory_space<hbm>> -> memref<1x80x128xi32, #tpu.memory_space<hbm>>
      %dma_start3A_23 = tpu.memref_squeeze %dma_start3A_22 : memref<1x80x128xi32, #tpu.memory_space<hbm>> -> memref<80x128xi32, #tpu.memory_space<hbm>>
      %dma_start3A_24 = arith.constant 0 : i32
      %dma_start3A_25 = arith.constant 0 : i32
      %dma_start3A_26 = tpu.memref_slice %arg3[%add3A, %dma_start3A_24, %dma_start3A_25] : memref<32x80x128xi32, #tpu.memory_space<hbm>> -> memref<1x80x128xi32, #tpu.memory_space<hbm>>
      %dma_start3A_27 = tpu.memref_squeeze %dma_start3A_26 : memref<1x80x128xi32, #tpu.memory_space<hbm>> -> memref<80x128xi32, #tpu.memory_space<hbm>>
      tpu.enqueue_dma source(%dma_start3A_27 : memref<80x128xi32, #tpu.memory_space<hbm>>) target(%arg6 : memref<80x128xi32, #tpu.memory_space<vmem>>) target_semaphore(%run_scoped3A : memref<!tpu.dma_semaphore, #tpu.memory_space<semaphore_mem>>)
      %dma_wait3A = arith.constant 0 : i32
      %dma_wait3A_28 = arith.constant 0 : i32
      %dma_wait3A_29 = tpu.memref_slice %arg3[%add3A, %dma_wait3A, %dma_wait3A_28] : memref<32x80x128xi32, #tpu.memory_space<hbm>> -> memref<1x80x128xi32, #tpu.memory_space<hbm>>
      %dma_wait3A_30 = tpu.memref_squeeze %dma_wait3A_29 : memref<1x80x128xi32, #tpu.memory_space<hbm>> -> memref<80x128xi32, #tpu.memory_space<hbm>>
      %dma_wait3A_31 = arith.constant 0 : i32
      %dma_wait3A_32 = arith.constant 0 : i32
      %dma_wait3A_33 = tpu.memref_slice %arg3[%add3A, %dma_wait3A_31, %dma_wait3A_32] : memref<32x80x128xi32, #tpu.memory_space<hbm>> -> memref<1x80x128xi32, #tpu.memory_space<hbm>>
      %dma_wait3A_34 = tpu.memref_squeeze %dma_wait3A_33 : memref<1x80x128xi32, #tpu.memory_space<hbm>> -> memref<80x128xi32, #tpu.memory_space<hbm>>
      tpu.wait_dma2 semaphore(%run_scoped3A : memref<!tpu.dma_semaphore, #tpu.memory_space<semaphore_mem>>) src(%dma_wait3A_34 : memref<80x128xi32, #tpu.memory_space<hbm>>) dst(%arg6 : memref<80x128xi32, #tpu.memory_space<vmem>>)
      tpu.yield
    }) : () -> ()
    "tpu.region"() ({
      %run_scoped3A = tpu.sem_alloc : memref<!tpu.dma_semaphore, #tpu.memory_space<semaphore_mem>>
      %dma_start3A = arith.constant 0 : i32
      %dma_start3A_21 = arith.constant 0 : i32
      %dma_start3A_22 = tpu.memref_slice %arg4[%add3A, %dma_start3A, %dma_start3A_21] : memref<32x80x128xi32, #tpu.memory_space<hbm>> -> memref<1x80x128xi32, #tpu.memory_space<hbm>>
      %dma_start3A_23 = tpu.memref_squeeze %dma_start3A_22 : memref<1x80x128xi32, #tpu.memory_space<hbm>> -> memref<80x128xi32, #tpu.memory_space<hbm>>
      %dma_start3A_24 = arith.constant 0 : i32
      %dma_start3A_25 = arith.constant 0 : i32
      %dma_start3A_26 = tpu.memref_slice %arg4[%add3A, %dma_start3A_24, %dma_start3A_25] : memref<32x80x128xi32, #tpu.memory_space<hbm>> -> memref<1x80x128xi32, #tpu.memory_space<hbm>>
      %dma_start3A_27 = tpu.memref_squeeze %dma_start3A_26 : memref<1x80x128xi32, #tpu.memory_space<hbm>> -> memref<80x128xi32, #tpu.memory_space<hbm>>
      tpu.enqueue_dma source(%dma_start3A_27 : memref<80x128xi32, #tpu.memory_space<hbm>>) target(%arg7 : memref<80x128xi32, #tpu.memory_space<vmem>>) target_semaphore(%run_scoped3A : memref<!tpu.dma_semaphore, #tpu.memory_space<semaphore_mem>>)
      %dma_wait3A = arith.constant 0 : i32
      %dma_wait3A_28 = arith.constant 0 : i32
      %dma_wait3A_29 = tpu.memref_slice %arg4[%add3A, %dma_wait3A, %dma_wait3A_28] : memref<32x80x128xi32, #tpu.memory_space<hbm>> -> memref<1x80x128xi32, #tpu.memory_space<hbm>>
      %dma_wait3A_30 = tpu.memref_squeeze %dma_wait3A_29 : memref<1x80x128xi32, #tpu.memory_space<hbm>> -> memref<80x128xi32, #tpu.memory_space<hbm>>
      %dma_wait3A_31 = arith.constant 0 : i32
      %dma_wait3A_32 = arith.constant 0 : i32
      %dma_wait3A_33 = tpu.memref_slice %arg4[%add3A, %dma_wait3A_31, %dma_wait3A_32] : memref<32x80x128xi32, #tpu.memory_space<hbm>> -> memref<1x80x128xi32, #tpu.memory_space<hbm>>
      %dma_wait3A_34 = tpu.memref_squeeze %dma_wait3A_33 : memref<1x80x128xi32, #tpu.memory_space<hbm>> -> memref<80x128xi32, #tpu.memory_space<hbm>>
      tpu.wait_dma2 semaphore(%run_scoped3A : memref<!tpu.dma_semaphore, #tpu.memory_space<semaphore_mem>>) src(%dma_wait3A_34 : memref<80x128xi32, #tpu.memory_space<hbm>>) dst(%arg7 : memref<80x128xi32, #tpu.memory_space<vmem>>)
      tpu.yield
    }) : () -> ()
    %scan3A = arith.constant 0 : i32
    %scan3A_3 = arith.constant 0 : i32
    %scan3A_4 = arith.constant 128 : i32
    %scan3A_5 = arith.addi %scan3A_3, %scan3A_4 : i32
    %scan3A_6 = arith.constant 1 : i32
    scf.for %scan3A_21 = %scan3A_3 to %scan3A_5 step %scan3A_6  : i32 {
      %scan3A_22 = arith.constant 0 : i32
      %scan3A_23 = arith.constant 3 : i32
      %scan3A_24 = arith.addi %scan3A_22, %scan3A_23 : i32
      %scan3A_25 = arith.constant 1 : i32
      scf.for %scan3A_27 = %scan3A_22 to %scan3A_24 step %scan3A_25  : i32 {
        %broadcast_in_dim3A = arith.constant 0.000000e+00 : f32
        %broadcast_in_dim3A_28 = vector.broadcast %broadcast_in_dim3A : f32 to vector<16xf32>
        %mul3A_29 = arith.constant 16 : i32
        %mul3A_30 = arith.muli %scan3A_27, %mul3A_29 : i32
        %swap3A = arith.index_cast %scan3A_21 : i32 to index
        %swap3A_31 = arith.index_cast %mul3A_30 : i32 to index
        %swap3A_32 = tpu.vector_load %arg8[%swap3A, %swap3A_31] {strides = array<i32>} : memref<128x48xf32, #tpu.memory_space<vmem>>, vector<16xf32>,
        tpu.vector_store %arg8[%swap3A, %swap3A_31], %broadcast_in_dim3A_28 {strides = array<i32>} : memref<128x48xf32, #tpu.memory_space<vmem>>, vector<16xf32>,
      }
      %scan3A_26 = arith.constant 3 : i32
    }
    %scan3A_7 = arith.constant 128 : i32
    %scan3A_8 = arith.constant 0 : i32
    %scan3A_9 = arith.constant 0 : i32
    %scan3A_10 = arith.constant 5 : i32
    %scan3A_11 = arith.addi %scan3A_9, %scan3A_10 : i32
    %scan3A_12 = arith.constant 1 : i32
    scf.for %scan3A_21 = %scan3A_9 to %scan3A_11 step %scan3A_12  : i32 {
      %mul3A_22 = arith.constant 128 : i32
      %mul3A_23 = arith.muli %scan3A_21, %mul3A_22 : i32
      %add3A_24 = arith.addi %mul3A_2, %mul3A_23 : i32
      "tpu.region"() ({
        %run_scoped3A = tpu.sem_alloc : memref<!tpu.dma_semaphore, #tpu.memory_space<semaphore_mem>>
        %dma_start3A = arith.constant 0 : i32
        %dma_start3A_25 = tpu.memref_slice %arg9[%add3A_24, %dma_start3A] : memref<10240x48xf32, #tpu.memory_space<vmem_shared>> -> memref<128x48xf32, #tpu.memory_space<vmem_shared>>
        %dma_start3A_26 = arith.constant 0 : i32
        %dma_start3A_27 = tpu.memref_slice %arg9[%add3A_24, %dma_start3A_26] : memref<10240x48xf32, #tpu.memory_space<vmem_shared>> -> memref<128x48xf32, #tpu.memory_space<vmem_shared>>
        tpu.enqueue_dma source(%arg8 : memref<128x48xf32, #tpu.memory_space<vmem>>) target(%dma_start3A_27 : memref<128x48xf32, #tpu.memory_space<vmem_shared>>) target_semaphore(%run_scoped3A : memref<!tpu.dma_semaphore, #tpu.memory_space<semaphore_mem>>)
        %dma_wait3A = arith.constant 0 : i32
        %dma_wait3A_28 = tpu.memref_slice %arg9[%add3A_24, %dma_wait3A] : memref<10240x48xf32, #tpu.memory_space<vmem_shared>> -> memref<128x48xf32, #tpu.memory_space<vmem_shared>>
        %dma_wait3A_29 = arith.constant 0 : i32
        %dma_wait3A_30 = tpu.memref_slice %arg9[%add3A_24, %dma_wait3A_29] : memref<10240x48xf32, #tpu.memory_space<vmem_shared>> -> memref<128x48xf32, #tpu.memory_space<vmem_shared>>
        tpu.wait_dma2 semaphore(%run_scoped3A : memref<!tpu.dma_semaphore, #tpu.memory_space<semaphore_mem>>) src(%arg8 : memref<128x48xf32, #tpu.memory_space<vmem>>) dst(%dma_wait3A_30 : memref<128x48xf32, #tpu.memory_space<vmem_shared>>)
        tpu.yield
      }) : () -> ()
    }
    %scan3A_13 = arith.constant 5 : i32
    "tpu.region"() ({
      %run_scoped3A = tpu.sem_alloc : memref<!tpu.dma_semaphore, #tpu.memory_space<semaphore_mem>>
      %dma_start3A = arith.constant 0 : i32
      %dma_start3A_21 = tpu.memref_slice %arg11[%mul3A_2, %dma_start3A] : memref<10240x48xf32, #tpu.memory_space<vmem_shared>> -> memref<640x48xf32, #tpu.memory_space<vmem_shared>>
      %dma_start3A_22 = arith.constant 0 : i32
      %dma_start3A_23 = tpu.memref_slice %arg2[%mul3A_2, %dma_start3A_22] : memref<10240x48xf32, #tpu.memory_space<hbm>> -> memref<640x48xf32, #tpu.memory_space<hbm>>
      tpu.enqueue_dma source(%dma_start3A_23 : memref<640x48xf32, #tpu.memory_space<hbm>>) target(%dma_start3A_21 : memref<640x48xf32, #tpu.memory_space<vmem_shared>>) target_semaphore(%run_scoped3A : memref<!tpu.dma_semaphore, #tpu.memory_space<semaphore_mem>>)
      %dma_wait3A = arith.constant 0 : i32
      %dma_wait3A_24 = tpu.memref_slice %arg11[%mul3A_2, %dma_wait3A] : memref<10240x48xf32, #tpu.memory_space<vmem_shared>> -> memref<640x48xf32, #tpu.memory_space<vmem_shared>>
      %dma_wait3A_25 = arith.constant 0 : i32
      %dma_wait3A_26 = tpu.memref_slice %arg2[%mul3A_2, %dma_wait3A_25] : memref<10240x48xf32, #tpu.memory_space<hbm>> -> memref<640x48xf32, #tpu.memory_space<hbm>>
      tpu.wait_dma2 semaphore(%run_scoped3A : memref<!tpu.dma_semaphore, #tpu.memory_space<semaphore_mem>>) src(%dma_wait3A_26 : memref<640x48xf32, #tpu.memory_space<hbm>>) dst(%dma_wait3A_24 : memref<640x48xf32, #tpu.memory_space<vmem_shared>>)
      tpu.yield
    }) : () -> ()
    %barrier3A = arith.constant 0 : index
    tpu.barrier barrier_id(%barrier3A)
    %scan3A_14 = arith.constant 0 : i32
    %scan3A_15 = arith.constant 0 : i32
    %scan3A_16 = arith.constant 80 : i32
    %scan3A_17 = arith.addi %scan3A_15, %scan3A_16 : i32
    %scan3A_18 = arith.constant 1 : i32
    scf.for %scan3A_21 = %scan3A_15 to %scan3A_17 step %scan3A_18  : i32 {
      %dma_start3A = arith.constant 0 : i32
      %dma_start3A_22 = tpu.memref_slice %arg6[%scan3A_21, %dma_start3A] : memref<80x128xi32, #tpu.memory_space<vmem>> -> memref<1x128xi32, #tpu.memory_space<vmem>>
      %dma_start3A_23 = tpu.memref_squeeze %dma_start3A_22 : memref<1x128xi32, #tpu.memory_space<vmem>> -> memref<128xi32, #tpu.memory_space<vmem>>
      %dma_start3A_24 = arith.constant 0 : i32
      %dma_start3A_25 = arith.constant 0 : i32
      %dma_start3A_26 = tpu.memref_slice %arg11[%dma_start3A_24, %dma_start3A_25] : memref<10240x48xf32, #tpu.memory_space<vmem_shared>> -> memref<10240x48xf32, #tpu.memory_space<vmem_shared>>
      tpu.enqueue_indirect_dma source(%dma_start3A_26 : memref<10240x48xf32, #tpu.memory_space<vmem_shared>>) target(%arg8 : memref<128x48xf32, #tpu.memory_space<vmem>>) offsets(%dma_start3A_23 : memref<128xi32, #tpu.memory_space<vmem>>) semaphore(%arg10 : memref<!tpu.dma_semaphore, #tpu.memory_space<semaphore_mem>>)
      %dma_wait3A = arith.constant 0 : i32
      %dma_wait3A_27 = tpu.memref_slice %arg6[%scan3A_21, %dma_wait3A] : memref<80x128xi32, #tpu.memory_space<vmem>> -> memref<1x128xi32, #tpu.memory_space<vmem>>
      %dma_wait3A_28 = tpu.memref_squeeze %dma_wait3A_27 : memref<1x128xi32, #tpu.memory_space<vmem>> -> memref<128xi32, #tpu.memory_space<vmem>>
      %dma_wait3A_29 = arith.constant 0 : i32
      %dma_wait3A_30 = arith.constant 0 : i32
      %dma_wait3A_31 = tpu.memref_slice %arg11[%dma_wait3A_29, %dma_wait3A_30] : memref<10240x48xf32, #tpu.memory_space<vmem_shared>> -> memref<10240x48xf32, #tpu.memory_space<vmem_shared>>
      tpu.wait_indirect_dma semaphore(%arg10 : memref<!tpu.dma_semaphore, #tpu.memory_space<semaphore_mem>>) src(%dma_wait3A_31 : memref<10240x48xf32, #tpu.memory_space<vmem_shared>>) dst(%arg8 : memref<128x48xf32, #tpu.memory_space<vmem>>)
      "tpu.region"() ({
        %run_scoped3A = tpu.sem_alloc : memref<!tpu.dma_semaphore, #tpu.memory_space<semaphore_mem>>
        %dma_start3A_32 = arith.constant 0 : i32
        %dma_start3A_33 = tpu.memref_slice %arg7[%scan3A_21, %dma_start3A_32] : memref<80x128xi32, #tpu.memory_space<vmem>> -> memref<1x128xi32, #tpu.memory_space<vmem>>
        %dma_start3A_34 = tpu.memref_squeeze %dma_start3A_33 : memref<1x128xi32, #tpu.memory_space<vmem>> -> memref<128xi32, #tpu.memory_space<vmem>>
        %dma_start3A_35 = arith.constant 0 : i32
        %dma_start3A_36 = arith.constant 0 : i32
        %dma_start3A_37 = tpu.memref_slice %arg9[%dma_start3A_35, %dma_start3A_36] : memref<10240x48xf32, #tpu.memory_space<vmem_shared>> -> memref<10240x48xf32, #tpu.memory_space<vmem_shared>>
        tpu.enqueue_indirect_dma source(%arg8 : memref<128x48xf32, #tpu.memory_space<vmem>>) target(%dma_start3A_37 : memref<10240x48xf32, #tpu.memory_space<vmem_shared>>) offsets(%dma_start3A_34 : memref<128xi32, #tpu.memory_space<vmem>>) semaphore(%run_scoped3A : memref<!tpu.dma_semaphore, #tpu.memory_space<semaphore_mem>>) {add = true}
        %dma_wait3A_38 = arith.constant 0 : i32
        %dma_wait3A_39 = tpu.memref_slice %arg7[%scan3A_21, %dma_wait3A_38] : memref<80x128xi32, #tpu.memory_space<vmem>> -> memref<1x128xi32, #tpu.memory_space<vmem>>
        %dma_wait3A_40 = tpu.memref_squeeze %dma_wait3A_39 : memref<1x128xi32, #tpu.memory_space<vmem>> -> memref<128xi32, #tpu.memory_space<vmem>>
        %dma_wait3A_41 = arith.constant 0 : i32
        %dma_wait3A_42 = arith.constant 0 : i32
        %dma_wait3A_43 = tpu.memref_slice %arg9[%dma_wait3A_41, %dma_wait3A_42] : memref<10240x48xf32, #tpu.memory_space<vmem_shared>> -> memref<10240x48xf32, #tpu.memory_space<vmem_shared>>
        tpu.wait_indirect_dma semaphore(%run_scoped3A : memref<!tpu.dma_semaphore, #tpu.memory_space<semaphore_mem>>) src(%arg8 : memref<128x48xf32, #tpu.memory_space<vmem>>) dst(%dma_wait3A_43 : memref<10240x48xf32, #tpu.memory_space<vmem_shared>>)
        tpu.yield
      }) : () -> ()
    }
    %scan3A_19 = arith.constant 80 : i32
    %barrier3A_20 = arith.constant 0 : index
    tpu.barrier barrier_id(%barrier3A_20)
    "tpu.region"() ({
      %run_scoped3A = tpu.sem_alloc : memref<!tpu.dma_semaphore, #tpu.memory_space<semaphore_mem>>
      %dma_start3A = arith.constant 0 : i32
      %dma_start3A_21 = tpu.memref_slice %arg5[%arg0, %mul3A_2, %dma_start3A] : memref<2x10240x48xf32, #tpu.memory_space<hbm>> -> memref<1x640x48xf32, #tpu.memory_space<hbm>>
      %dma_start3A_22 = tpu.memref_squeeze %dma_start3A_21 : memref<1x640x48xf32, #tpu.memory_space<hbm>> -> memref<640x48xf32, #tpu.memory_space<hbm>>
      %dma_start3A_23 = arith.constant 0 : i32
      %dma_start3A_24 = tpu.memref_slice %arg9[%mul3A_2, %dma_start3A_23] : memref<10240x48xf32, #tpu.memory_space<vmem_shared>> -> memref<640x48xf32, #tpu.memory_space<vmem_shared>>
      tpu.enqueue_dma source(%dma_start3A_24 : memref<640x48xf32, #tpu.memory_space<vmem_shared>>) target(%dma_start3A_22 : memref<640x48xf32, #tpu.memory_space<hbm>>) target_semaphore(%run_scoped3A : memref<!tpu.dma_semaphore, #tpu.memory_space<semaphore_mem>>)
      %dma_wait3A = arith.constant 0 : i32
      %dma_wait3A_25 = tpu.memref_slice %arg5[%arg0, %mul3A_2, %dma_wait3A] : memref<2x10240x48xf32, #tpu.memory_space<hbm>> -> memref<1x640x48xf32, #tpu.memory_space<hbm>>
      %dma_wait3A_26 = tpu.memref_squeeze %dma_wait3A_25 : memref<1x640x48xf32, #tpu.memory_space<hbm>> -> memref<640x48xf32, #tpu.memory_space<hbm>>
      %dma_wait3A_27 = arith.constant 0 : i32
      %dma_wait3A_28 = tpu.memref_slice %arg9[%mul3A_2, %dma_wait3A_27] : memref<10240x48xf32, #tpu.memory_space<vmem_shared>> -> memref<640x48xf32, #tpu.memory_space<vmem_shared>>
      tpu.wait_dma2 semaphore(%run_scoped3A : memref<!tpu.dma_semaphore, #tpu.memory_space<semaphore_mem>>) src(%dma_wait3A_28 : memref<640x48xf32, #tpu.memory_space<vmem_shared>>) dst(%dma_wait3A_26 : memref<640x48xf32, #tpu.memory_space<hbm>>)
      tpu.yield
    }) : () -> ()
    return
  }
}

module attributes {stable_mosaic.version = 14 : i64} {
  func.func @_tc_mid_body(%arg0: i32, %arg1: memref<1x640x64xf32, #tpu.memory_space<vmem>>, %arg2: memref<1x640x64xf32, #tpu.memory_space<vmem>>, %arg3: memref<1x640x64xf32, #tpu.memory_space<vmem>>, %arg4: memref<1x640x64xf32, #tpu.memory_space<vmem>>, %arg5: memref<32x640xf32, #tpu.memory_space<vmem>>, %arg6: memref<640x128xf32, #tpu.memory_space<vmem>>, %arg7: memref<128x128xf32, #tpu.memory_space<vmem>>, %arg8: memref<1x128xf32, #tpu.memory_space<vmem>>, %arg9: memref<128x128xf32, #tpu.memory_space<vmem>>, %arg10: memref<128x48xf32, #tpu.memory_space<vmem>>, %arg11: memref<128x48xf32, #tpu.memory_space<vmem>>, %arg12: memref<1x48xf32, #tpu.memory_space<vmem>>, %arg13: memref<640x48xf32, #tpu.memory_space<vmem>>, %arg14: memref<640x48xf32, #tpu.memory_space<vmem>>, %arg15: memref<640x48xf32, #tpu.memory_space<vmem>>) attributes {dimension_semantics = [#tpu.dimension_semantics<arbitrary>], iteration_bounds = array<i64: 16>, scalar_prefetch = 0 : i64, scratch_operands = 0 : i64, tpu.core_type = #tpu.core_type<tc>, window_params = [{transform_indices = @transform_0, window_bounds = array<i64: 1, 640, 64>}, {transform_indices = @transform_1, window_bounds = array<i64: 1, 640, 64>}, {transform_indices = @transform_2, window_bounds = array<i64: 1, 640, 64>}, {transform_indices = @transform_3, window_bounds = array<i64: 1, 640, 64>}, {transform_indices = @transform_4, window_bounds = array<i64: 32, 640>}, {transform_indices = @transform_5, window_bounds = array<i64: 640, 128>}, {pipeline_mode = #tpu.pipeline_mode<synchronous>, transform_indices = @transform_6, window_bounds = array<i64: 128, 128>}, {pipeline_mode = #tpu.pipeline_mode<synchronous>, transform_indices = @transform_7, window_bounds = array<i64: 1, 128>}, {pipeline_mode = #tpu.pipeline_mode<synchronous>, transform_indices = @transform_8, window_bounds = array<i64: 128, 128>}, {pipeline_mode = #tpu.pipeline_mode<synchronous>, transform_indices = @transform_9, window_bounds = array<i64: 128, 48>}, {pipeline_mode = #tpu.pipeline_mode<synchronous>, transform_indices = @transform_10, window_bounds = array<i64: 128, 48>}, {pipeline_mode = #tpu.pipeline_mode<synchronous>, transform_indices = @transform_11, window_bounds = array<i64: 1, 48>}, {transform_indices = @transform_12, window_bounds = array<i64: 640, 48>}, {transform_indices = @transform_13, window_bounds = array<i64: 640, 48>}, {transform_indices = @transform_14, window_bounds = array<i64: 640, 48>}]} {
    %get3A = arith.constant 0 : index
    %get3A_0 = arith.constant 0 : index
    %get3A_1 = arith.constant 0 : index
    %get3A_2 = vector.load %arg1[%get3A, %get3A_0, %get3A_1] : memref<1x640x64xf32, #tpu.memory_space<vmem>>, vector<1x640x64xf32>
    %get3A_3 = vector.shape_cast %get3A_2 : vector<1x640x64xf32> to vector<640x64xf32>
    %get3A_4 = arith.constant 0 : index
    %get3A_5 = arith.constant 0 : index
    %get3A_6 = arith.constant 0 : index
    %get3A_7 = vector.load %arg2[%get3A_4, %get3A_5, %get3A_6] : memref<1x640x64xf32, #tpu.memory_space<vmem>>, vector<1x640x64xf32>
    %get3A_8 = vector.shape_cast %get3A_7 : vector<1x640x64xf32> to vector<640x64xf32>
    %add3A = arith.addf %get3A_3, %get3A_8 : vector<640x64xf32>
    %get3A_9 = arith.constant 0 : index
    %get3A_10 = arith.constant 0 : index
    %get3A_11 = arith.constant 0 : index
    %get3A_12 = vector.load %arg3[%get3A_9, %get3A_10, %get3A_11] : memref<1x640x64xf32, #tpu.memory_space<vmem>>, vector<1x640x64xf32>
    %get3A_13 = vector.shape_cast %get3A_12 : vector<1x640x64xf32> to vector<640x64xf32>
    %get3A_14 = arith.constant 0 : index
    %get3A_15 = arith.constant 0 : index
    %get3A_16 = arith.constant 0 : index
    %get3A_17 = vector.load %arg4[%get3A_14, %get3A_15, %get3A_16] : memref<1x640x64xf32, #tpu.memory_space<vmem>>, vector<1x640x64xf32>
    %get3A_18 = vector.shape_cast %get3A_17 : vector<1x640x64xf32> to vector<640x64xf32>
    %add3A_19 = arith.addf %get3A_13, %get3A_18 : vector<640x64xf32>
    %broadcast_in_dim3A = arith.constant 1.000000e+00 : f32
    %broadcast_in_dim3A_20 = vector.broadcast %broadcast_in_dim3A : f32 to vector<32x1xf32>
    %get3A_21 = arith.constant 0 : index
    %get3A_22 = arith.constant 0 : index
    %get3A_23 = vector.load %arg5[%get3A_21, %get3A_22] : memref<32x640xf32, #tpu.memory_space<vmem>>, vector<32x640xf32>
    %dot_general3A = arith.constant dense<0.000000e+00> : vector<640x1xf32>
    %dot_general3A_24 = tpu.matmul %get3A_23, %broadcast_in_dim3A_20, %dot_general3A {dimension_numbers = #tpu.dot_dimension_numbers<[0], [0], [1], [1], [0, 1, 1, 1], [], []>, transpose_lhs_hint = false} : vector<32x640xf32>, vector<32x1xf32>, vector<640x1xf32> -> vector<640x1xf32>
    %max3A = arith.constant 1.000000e+00 : f32
    %max3A_25 = vector.broadcast %max3A : f32 to vector<640x1xf32>
    %max3A_26 = arith.maximumf %dot_general3A_24, %max3A_25 : vector<640x1xf32>
    %div3A = arith.constant 1.000000e+00 : f32
    %div3A_27 = vector.broadcast %div3A : f32 to vector<640x1xf32>
    %div3A_28 = arith.divf %div3A_27, %max3A_26 : vector<640x1xf32>
    %get3A_29 = arith.constant 0 : index
    %get3A_30 = arith.constant 0 : index
    %get3A_31 = vector.load %arg7[%get3A_29, %get3A_30] : memref<128x128xf32, #tpu.memory_space<vmem>>, vector<128x128xf32>
    %slice3A = vector.extract_strided_slice %get3A_31 {offsets = [0, 0], sizes = [64, 128], strides = [1, 1]} : vector<128x128xf32> to vector<64x128xf32>
    %dot_general3A_32 = arith.constant dense<0.000000e+00> : vector<640x128xf32>
    %dot_general3A_33 = tpu.matmul %add3A, %slice3A, %dot_general3A_32 {dimension_numbers = #tpu.dot_dimension_numbers<[1], [0], [0], [1], [0, 0, 1, 1], [], []>, transpose_lhs_hint = false} : vector<640x64xf32>, vector<64x128xf32>, vector<640x128xf32> -> vector<640x128xf32>
    %get3A_34 = arith.constant 0 : index
    %get3A_35 = arith.constant 0 : index
    %get3A_36 = vector.load %arg7[%get3A_34, %get3A_35] : memref<128x128xf32, #tpu.memory_space<vmem>>, vector<128x128xf32>
    %slice3A_37 = vector.extract_strided_slice %get3A_36 {offsets = [64, 0], sizes = [64, 128], strides = [1, 1]} : vector<128x128xf32> to vector<64x128xf32>
    %dot_general3A_38 = arith.constant dense<0.000000e+00> : vector<640x128xf32>
    %dot_general3A_39 = tpu.matmul %add3A_19, %slice3A_37, %dot_general3A_38 {dimension_numbers = #tpu.dot_dimension_numbers<[1], [0], [0], [1], [0, 0, 1, 1], [], []>, transpose_lhs_hint = false} : vector<640x64xf32>, vector<64x128xf32>, vector<640x128xf32> -> vector<640x128xf32>
    %add3A_40 = arith.addf %dot_general3A_33, %dot_general3A_39 : vector<640x128xf32>
    %mul3A = vector.broadcast %div3A_28 : vector<640x1xf32> to vector<640x128xf32>
    %mul3A_41 = arith.mulf %add3A_40, %mul3A : vector<640x128xf32>
    %get3A_42 = arith.constant 0 : index
    %get3A_43 = arith.constant 0 : index
    %get3A_44 = vector.load %arg8[%get3A_42, %get3A_43] : memref<1x128xf32, #tpu.memory_space<vmem>>, vector<1x128xf32>
    %add3A_45 = vector.broadcast %get3A_44 : vector<1x128xf32> to vector<640x128xf32>
    %add3A_46 = arith.addf %mul3A_41, %add3A_45 : vector<640x128xf32>
    %get3A_47 = arith.constant 0 : index
    %get3A_48 = arith.constant 0 : index
    %get3A_49 = vector.load %arg6[%get3A_47, %get3A_48] : memref<640x128xf32, #tpu.memory_space<vmem>>, vector<640x128xf32>
    %get3A_50 = arith.constant 0 : index
    %get3A_51 = arith.constant 0 : index
    %get3A_52 = vector.load %arg9[%get3A_50, %get3A_51] : memref<128x128xf32, #tpu.memory_space<vmem>>, vector<128x128xf32>
    %dot_general3A_53 = arith.constant dense<0.000000e+00> : vector<640x128xf32>
    %dot_general3A_54 = tpu.matmul %get3A_49, %get3A_52, %dot_general3A_53 {dimension_numbers = #tpu.dot_dimension_numbers<[1], [0], [0], [1], [0, 0, 1, 1], [], []>, transpose_lhs_hint = false} : vector<640x128xf32>, vector<128x128xf32>, vector<640x128xf32> -> vector<640x128xf32>
    %add3A_55 = arith.addf %add3A_46, %dot_general3A_54 : vector<640x128xf32>
    %max3A_56 = arith.constant 0.000000e+00 : f32
    %max3A_57 = vector.broadcast %max3A_56 : f32 to vector<640x128xf32>
    %max3A_58 = arith.maximumf %add3A_55, %max3A_57 : vector<640x128xf32>
    %get3A_59 = arith.constant 0 : index
    %get3A_60 = arith.constant 0 : index
    %get3A_61 = vector.load %arg10[%get3A_59, %get3A_60] : memref<128x48xf32, #tpu.memory_space<vmem>>, vector<128x48xf32>
    %dot_general3A_62 = arith.constant dense<0.000000e+00> : vector<640x48xf32>
    %dot_general3A_63 = tpu.matmul %max3A_58, %get3A_61, %dot_general3A_62 {dimension_numbers = #tpu.dot_dimension_numbers<[1], [0], [0], [1], [0, 0, 1, 1], [], []>, transpose_lhs_hint = false} : vector<640x128xf32>, vector<128x48xf32>, vector<640x48xf32> -> vector<640x48xf32>
    %swap3A = arith.constant 0 : index
    %swap3A_64 = arith.constant 0 : index
    %swap3A_65 = vector.load %arg13[%swap3A, %swap3A_64] : memref<640x48xf32, #tpu.memory_space<vmem>>, vector<640x48xf32>
    tpu.vector_store %arg13[%swap3A, %swap3A_64], %dot_general3A_63 {strides = array<i32>} : memref<640x48xf32, #tpu.memory_space<vmem>>, vector<640x48xf32>,
    %get3A_66 = arith.constant 0 : index
    %get3A_67 = arith.constant 0 : index
    %get3A_68 = vector.load %arg11[%get3A_66, %get3A_67] : memref<128x48xf32, #tpu.memory_space<vmem>>, vector<128x48xf32>
    %dot_general3A_69 = arith.constant dense<0.000000e+00> : vector<640x48xf32>
    %dot_general3A_70 = tpu.matmul %max3A_58, %get3A_68, %dot_general3A_69 {dimension_numbers = #tpu.dot_dimension_numbers<[1], [0], [0], [1], [0, 0, 1, 1], [], []>, transpose_lhs_hint = false} : vector<640x128xf32>, vector<128x48xf32>, vector<640x48xf32> -> vector<640x48xf32>
    %get3A_71 = arith.constant 0 : index
    %get3A_72 = arith.constant 0 : index
    %get3A_73 = vector.load %arg12[%get3A_71, %get3A_72] : memref<1x48xf32, #tpu.memory_space<vmem>>, vector<1x48xf32>
    %add3A_74 = vector.broadcast %get3A_73 : vector<1x48xf32> to vector<640x48xf32>
    %add3A_75 = arith.addf %dot_general3A_70, %add3A_74 : vector<640x48xf32>
    %swap3A_76 = arith.constant 0 : index
    %swap3A_77 = arith.constant 0 : index
    %swap3A_78 = vector.load %arg14[%swap3A_76, %swap3A_77] : memref<640x48xf32, #tpu.memory_space<vmem>>, vector<640x48xf32>
    tpu.vector_store %arg14[%swap3A_76, %swap3A_77], %add3A_75 {strides = array<i32>} : memref<640x48xf32, #tpu.memory_space<vmem>>, vector<640x48xf32>,
    %broadcast_in_dim3A_79 = vector.shape_cast %div3A_28 : vector<640x1xf32> to vector<640x1xf32>
    %broadcast_in_dim3A_80 = vector.broadcast %broadcast_in_dim3A_79 : vector<640x1xf32> to vector<640x48xf32>
    %swap3A_81 = arith.constant 0 : index
    %swap3A_82 = arith.constant 0 : index
    %swap3A_83 = vector.load %arg15[%swap3A_81, %swap3A_82] : memref<640x48xf32, #tpu.memory_space<vmem>>, vector<640x48xf32>
    tpu.vector_store %arg15[%swap3A_81, %swap3A_82], %broadcast_in_dim3A_80 {strides = array<i32>} : memref<640x48xf32, #tpu.memory_space<vmem>>, vector<640x48xf32>,
    return
  }
  func.func @transform_0(%arg0: i32) -> (i32, i32, i32) {
    %c0_i32 = arith.constant 0 : i32
    %c0_i32_0 = arith.constant 0 : i32
    %c0_i32_1 = arith.constant 0 : i32
    return %c0_i32, %arg0, %c0_i32_0 : i32, i32, i32
  }
  func.func @transform_1(%arg0: i32) -> (i32, i32, i32) {
    %c1_i32 = arith.constant 1 : i32
    %c0_i32 = arith.constant 0 : i32
    %c0_i32_0 = arith.constant 0 : i32
    return %c1_i32, %arg0, %c0_i32 : i32, i32, i32
  }
  func.func @transform_2(%arg0: i32) -> (i32, i32, i32) {
    %c0_i32 = arith.constant 0 : i32
    %c0_i32_0 = arith.constant 0 : i32
    %c0_i32_1 = arith.constant 0 : i32
    return %c0_i32, %arg0, %c0_i32_0 : i32, i32, i32
  }
  func.func @transform_3(%arg0: i32) -> (i32, i32, i32) {
    %c1_i32 = arith.constant 1 : i32
    %c0_i32 = arith.constant 0 : i32
    %c0_i32_0 = arith.constant 0 : i32
    return %c1_i32, %arg0, %c0_i32 : i32, i32, i32
  }
  func.func @transform_4(%arg0: i32) -> (i32, i32) {
    %c0_i32 = arith.constant 0 : i32
    %c0_i32_0 = arith.constant 0 : i32
    return %c0_i32, %arg0 : i32, i32
  }
  func.func @transform_5(%arg0: i32) -> (i32, i32) {
    %c0_i32 = arith.constant 0 : i32
    %c0_i32_0 = arith.constant 0 : i32
    return %arg0, %c0_i32 : i32, i32
  }
  func.func @transform_6(%arg0: i32) -> (i32, i32) {
    %c0_i32 = arith.constant 0 : i32
    %c0_i32_0 = arith.constant 0 : i32
    %c0_i32_1 = arith.constant 0 : i32
    return %c0_i32, %c0_i32_0 : i32, i32
  }
  func.func @transform_7(%arg0: i32) -> (i32, i32) {
    %c0_i32 = arith.constant 0 : i32
    %c0_i32_0 = arith.constant 0 : i32
    %c0_i32_1 = arith.constant 0 : i32
    return %c0_i32, %c0_i32_0 : i32, i32
  }
  func.func @transform_8(%arg0: i32) -> (i32, i32) {
    %c0_i32 = arith.constant 0 : i32
    %c0_i32_0 = arith.constant 0 : i32
    %c0_i32_1 = arith.constant 0 : i32
    return %c0_i32, %c0_i32_0 : i32, i32
  }
  func.func @transform_9(%arg0: i32) -> (i32, i32) {
    %c0_i32 = arith.constant 0 : i32
    %c0_i32_0 = arith.constant 0 : i32
    %c0_i32_1 = arith.constant 0 : i32
    return %c0_i32, %c0_i32_0 : i32, i32
  }
  func.func @transform_10(%arg0: i32) -> (i32, i32) {
    %c0_i32 = arith.constant 0 : i32
    %c0_i32_0 = arith.constant 0 : i32
    %c0_i32_1 = arith.constant 0 : i32
    return %c0_i32, %c0_i32_0 : i32, i32
  }
  func.func @transform_11(%arg0: i32) -> (i32, i32) {
    %c0_i32 = arith.constant 0 : i32
    %c0_i32_0 = arith.constant 0 : i32
    %c0_i32_1 = arith.constant 0 : i32
    return %c0_i32, %c0_i32_0 : i32, i32
  }
  func.func @transform_12(%arg0: i32) -> (i32, i32) {
    %c0_i32 = arith.constant 0 : i32
    %c0_i32_0 = arith.constant 0 : i32
    return %arg0, %c0_i32 : i32, i32
  }
  func.func @transform_13(%arg0: i32) -> (i32, i32) {
    %c0_i32 = arith.constant 0 : i32
    %c0_i32_0 = arith.constant 0 : i32
    return %arg0, %c0_i32 : i32, i32
  }
  func.func @transform_14(%arg0: i32) -> (i32, i32) {
    %c0_i32 = arith.constant 0 : i32
    %c0_i32_0 = arith.constant 0 : i32
    return %arg0, %c0_i32 : i32, i32
  }
}

module attributes {stable_mosaic.version = 14 : i64} {
  func.func @_tc_out_body(%arg0: i32, %arg1: memref<1x640x48xf32, #tpu.memory_space<vmem>>, %arg2: memref<1x640x48xf32, #tpu.memory_space<vmem>>, %arg3: memref<640x48xf32, #tpu.memory_space<vmem>>, %arg4: memref<640x48xf32, #tpu.memory_space<vmem>>, %arg5: memref<640x48xf32, #tpu.memory_space<vmem>>) attributes {dimension_semantics = [#tpu.dimension_semantics<arbitrary>], iteration_bounds = array<i64: 16>, scalar_prefetch = 0 : i64, scratch_operands = 0 : i64, tpu.core_type = #tpu.core_type<tc>, window_params = [{transform_indices = @transform_0, window_bounds = array<i64: 1, 640, 48>}, {transform_indices = @transform_1, window_bounds = array<i64: 1, 640, 48>}, {transform_indices = @transform_2, window_bounds = array<i64: 640, 48>}, {transform_indices = @transform_3, window_bounds = array<i64: 640, 48>}, {transform_indices = @transform_4, window_bounds = array<i64: 640, 48>}]} {
    %get3A = arith.constant 0 : index
    %get3A_0 = arith.constant 0 : index
    %get3A_1 = arith.constant 0 : index
    %get3A_2 = vector.load %arg1[%get3A, %get3A_0, %get3A_1] : memref<1x640x48xf32, #tpu.memory_space<vmem>>, vector<1x640x48xf32>
    %get3A_3 = vector.shape_cast %get3A_2 : vector<1x640x48xf32> to vector<640x48xf32>
    %get3A_4 = arith.constant 0 : index
    %get3A_5 = arith.constant 0 : index
    %get3A_6 = arith.constant 0 : index
    %get3A_7 = vector.load %arg2[%get3A_4, %get3A_5, %get3A_6] : memref<1x640x48xf32, #tpu.memory_space<vmem>>, vector<1x640x48xf32>
    %get3A_8 = vector.shape_cast %get3A_7 : vector<1x640x48xf32> to vector<640x48xf32>
    %add3A = arith.addf %get3A_3, %get3A_8 : vector<640x48xf32>
    %get3A_9 = arith.constant 0 : index
    %get3A_10 = arith.constant 0 : index
    %get3A_11 = vector.load %arg3[%get3A_9, %get3A_10] : memref<640x48xf32, #tpu.memory_space<vmem>>, vector<640x48xf32>
    %mul3A = arith.mulf %add3A, %get3A_11 : vector<640x48xf32>
    %get3A_12 = arith.constant 0 : index
    %get3A_13 = arith.constant 0 : index
    %get3A_14 = vector.load %arg4[%get3A_12, %get3A_13] : memref<640x48xf32, #tpu.memory_space<vmem>>, vector<640x48xf32>
    %add3A_15 = arith.addf %mul3A, %get3A_14 : vector<640x48xf32>
    %iota3A = tpu.iota {dimensions = array<i32: 1>} : vector<640x48xi32>
    %lt3A = arith.constant 47 : i32
    %lt3A_16 = vector.broadcast %lt3A : i32 to vector<640x48xi32>
    %lt3A_17 = arith.cmpi slt, %iota3A, %lt3A_16 : vector<640x48xi32>
    %jit3A = arith.constant 0xFF800000 : f32
    %broadcast_in_dim3A = vector.broadcast %jit3A : f32 to vector<640x48xf32>
    %select_n3A = arith.select %lt3A_17, %add3A_15, %broadcast_in_dim3A : vector<640x48xi1>, vector<640x48xf32>
    %reduce_max3A = arith.constant dense<0xFF800000> : vector<640xf32>
    %reduce_max3A_18 = vector.multi_reduction <maximumf>, %select_n3A, %reduce_max3A [1] : vector<640x48xf32> to vector<640xf32>
    %broadcast_in_dim3A_19 = vector.shape_cast %reduce_max3A_18 : vector<640xf32> to vector<640x1xf32>
    %lt3A_20 = arith.constant 47 : i32
    %lt3A_21 = vector.broadcast %lt3A_20 : i32 to vector<640x48xi32>
    %lt3A_22 = arith.cmpi slt, %iota3A, %lt3A_21 : vector<640x48xi32>
    %sub3A = vector.broadcast %broadcast_in_dim3A_19 : vector<640x1xf32> to vector<640x48xf32>
    %sub3A_23 = arith.subf %select_n3A, %sub3A : vector<640x48xf32>
    %exp3A = math.exp %sub3A_23 : vector<640x48xf32>
    %jit3A_24 = arith.constant 0.000000e+00 : f32
    %broadcast_in_dim3A_25 = vector.broadcast %jit3A_24 : f32 to vector<640x48xf32>
    %select_n3A_26 = arith.select %lt3A_22, %exp3A, %broadcast_in_dim3A_25 : vector<640x48xi1>, vector<640x48xf32>
    %reduce_sum3A = arith.constant dense<0.000000e+00> : vector<640xf32>
    %reduce_sum3A_27 = vector.multi_reduction <add>, %select_n3A_26, %reduce_sum3A [1] : vector<640x48xf32> to vector<640xf32>
    %broadcast_in_dim3A_28 = vector.shape_cast %reduce_sum3A_27 : vector<640xf32> to vector<640x1xf32>
    %log3A = math.log %broadcast_in_dim3A_28 : vector<640x1xf32>
    %add3A_29 = arith.addf %log3A, %broadcast_in_dim3A_19 : vector<640x1xf32>
    %sub3A_30 = vector.broadcast %add3A_29 : vector<640x1xf32> to vector<640x48xf32>
    %sub3A_31 = arith.subf %add3A_15, %sub3A_30 : vector<640x48xf32>
    %swap3A = arith.constant 0 : index
    %swap3A_32 = arith.constant 0 : index
    %swap3A_33 = vector.load %arg5[%swap3A, %swap3A_32] : memref<640x48xf32, #tpu.memory_space<vmem>>, vector<640x48xf32>
    tpu.vector_store %arg5[%swap3A, %swap3A_32], %sub3A_31 {strides = array<i32>} : memref<640x48xf32, #tpu.memory_space<vmem>>, vector<640x48xf32>,
    return
  }
  func.func @transform_0(%arg0: i32) -> (i32, i32, i32) {
    %c0_i32 = arith.constant 0 : i32
    %c0_i32_0 = arith.constant 0 : i32
    %c0_i32_1 = arith.constant 0 : i32
    return %c0_i32, %arg0, %c0_i32_0 : i32, i32, i32
  }
  func.func @transform_1(%arg0: i32) -> (i32, i32, i32) {
    %c1_i32 = arith.constant 1 : i32
    %c0_i32 = arith.constant 0 : i32
    %c0_i32_0 = arith.constant 0 : i32
    return %c1_i32, %arg0, %c0_i32 : i32, i32, i32
  }
  func.func @transform_2(%arg0: i32) -> (i32, i32) {
    %c0_i32 = arith.constant 0 : i32
    %c0_i32_0 = arith.constant 0 : i32
    return %arg0, %c0_i32 : i32, i32
  }
  func.func @transform_3(%arg0: i32) -> (i32, i32) {
    %c0_i32 = arith.constant 0 : i32
    %c0_i32_0 = arith.constant 0 : i32
    return %arg0, %c0_i32 : i32, i32
  }
  func.func @transform_4(%arg0: i32) -> (i32, i32) {
    %c0_i32 = arith.constant 0 : i32
    %c0_i32_0 = arith.constant 0 : i32
    return %arg0, %c0_i32 : i32, i32
  }
}

</mosaic_0001>

<sc_bundles>
// kernel: kernel.10.cloned.1.call-start
scs
__scs_entry_jumppad:
0x0: {  	(pc) =	sbr.rel $0x88, $3  }
0x1: {  	(tag) =	ssettag $0x0;
	lr =	simm.s32 $0x1  }
0x2: {  	[smem:$0x3F99] =	sst lr;
	_ =	strace $0xD0000000  }
0x3: {  	_ = 	snop  }
0x4: {  	_ = 	snop  }
0x5: {  	_ = 	snop  }
0x6: {  	_ = 	snop  }
0x7: {  	_ = 	snop  }
__scs_overlays_trampoline_lowered:
0x8: {  	[smem:$0x3FA8] =	sst s0  }
0x9: {  	[smem:$0x3FA9] =	sst s1  }
0xa: {  	[smem:$0x3FAA] =	sst s2  }
0xb: {  	[smem:$0x3FAB] =	sst s3  }
0xc: {  	[smem:$0x3FAC] =	sst s4  }
0xd: {  	[smem:$0x3FAD] =	sst s5  }
0xe: {  	[smem:$0x3FAE] =	sst s6  }
0xf: {  	[smem:$0x3FAF] =	sst s7  }
0x10: {  	[smem:$0x3FB0] =	sst s8  }
0x11: {  	[smem:$0x3FB1] =	sst s9;
	s0 =	simm.s32 @!p0 $0x0  }
0x12: {  	s1 =	sld [smem:$0x3F97];
	s0 =	simm.s32 @p0 $0x1  }
0x13: {  	[smem:$0x3FB2] =	sst s0;
	s0 =	simm.s32 @!p1 $0x0  }
0x14: {  	s2 =	sld [smem:$0x3F96];
	s0 =	simm.s32 @p1 $0x1  }
0x15: {  	[smem:$0x3FB3] =	sst s0;
	s0 =	simm.s32 @!p2 $0x0  }
0x16: {  	s3 =	sld [smem:$0x3FDB];
	s0 =	simm.s32 @p2 $0x1  }
0x17: {  	s4 =	simm.s32 $0x1BF5;
	[smem:$0x3FB5] =	sst s0  }
0x18: {  	s0 =	sld [smem:$0x3F98];
	_ =	swait.ge [sflag:s4], $0x0  }
0x19: {  	s7 =	sld [smem:$0x3F99]  }
0x1a: {  	s8 =	sadd.s32 $0xFFFFE003, lr  }
0x1b: {  	s9 =	sadd.s32 $0xFFFFFEF7, lr;
	s5 =	simm.s32 $0xFFFFFFFF;
	p2 =	slt.u32 s8, $0xFFFFF086  }
0x1c: {  	p1 =	slt.u32 s9, $0xF7A;
	s5 =	simm.s32 @!p2 $0x0  }
0x1d: {  	s5 =	simm.s32 @p1 $0x1;
	p0 =	seq.s32 s7, s2  }
0x1e: {  	s7 =	smul.u32 @!p0 $0xF7A, s2;
	p2 =	seq.s32 @!p0 s5, $0x0  }
0x1f: {  	s9 =	smul.u32 $0xF7A, s1;
	s8 =	simm.s32 @!p0 $0x1BF5;
	p2 =	por !p2, p0  }
0x20: {  	[sflag:s8] =	ssyncset.s32 @!p0 $0xFFFFF086;
	s6 =	sadd.s32 @!p0 s3, s7;
	s7 =	simm.s32 @!p0 $0x108  }
0x21: {  	s3 =	sadd.s32 s3, s9;
	s6 =	sadd.s32 @!p0 $0x88, s6;
	s7 =	simm.s32 @p2 $0x1082  }
0x22: {  	[simem:s7], [sflag:s8] =	dma.local @!p0 [hbm:s6], $0xF7A  }
0x23: {  	s9 =	sor.u32 $0xD0000000, s2;
	s6 =	simm.s32 $0x108;
	_ =	swait.ge @!p0 [sflag:s8], $0x0  }
0x24: {  	s3 =	sadd.s32 $0x88, s3;
	s6 =	simm.s32 @!p1 $0x1082;
	[sflag:s4] =	ssyncset.s32 $0xFFFFF086  }
0x25: {  	[simem:s6], [sflag:s4] =	dma.local [hbm:s3], $0xF7A  }
0x26: {  	[smem:$0x3F99] =	sst s1;
	(tag) =	ssettag s2;
	_ =	strace s9  }
0x27: {  	s1 =	sld [smem:$0x3FA9]  }
0x28: {  	s2 =	sld [smem:$0x3FAA]  }
0x29: {  	s4 =	sld [smem:$0x3FAC]  }
0x2a: {  	p0 =	seq.s32 s5, $0x0;
	s5 =	sld [smem:$0x3FAD]  }
0x2b: {  	s6 =	sld [smem:$0x3FAE]  }
0x2c: {  	s7 =	sld [smem:$0x3FAF]  }
0x2d: {  	s3 =	simm.s32 $0x108;
	s8 =	sld [smem:$0x3FB0]  }
0x2e: {  	s3 =	simm.s32 @!p0 $0x1082;
	s9 =	sld [smem:$0x3FB1]  }
0x2f: {  	lr =	sadd.s32 s0, s3;
	s0 =	sld [smem:$0x3FA8]  }
0x30: {  	s3 =	sld [smem:$0x3FAB]  }
0x31: {  	[smem:$0x3FB4] =	sst s10  }
0x32: {  	s10 =	sld [smem:$0x3FB2];
	_ =	sdelay $0x3  }
0x33: {  	p0 =	seq.s32 s10, $0x1;
	s10 =	sld [smem:$0x3FB4];
	_ =	sdelay $0x3  }
0x34: {  	[smem:$0x3FB4] =	sst s10  }
0x35: {  	s10 =	sld [smem:$0x3FB3];
	_ =	sdelay $0x3  }
0x36: {  	p1 =	seq.s32 s10, $0x1;
	s10 =	sld [smem:$0x3FB4];
	_ =	sdelay $0x3  }
0x37: {  	[smem:$0x3FB4] =	sst s10  }
0x38: {  	s10 =	sld [smem:$0x3FB5]  }
0x39: {  	_ = 	snop;
	(pc) =	sbr.ind lr, $3  }
0x3a: {  	_ = 	snop  }
0x3b: {  	_ = 	snop  }
0x3c: {  	p2 =	seq.s32 s10, $0x1;
	s10 =	sld [smem:$0x3FB4]  }
0x3d: {  	_ =	shalt  }
0x3e: {  	_ =	shalt  }
0x3f: {  	_ =	shalt  }
0x40: {  	_ =	shalt  }
0x41: {  	_ =	shalt  }
0x42: {  	_ =	shalt  }
0x43: {  	_ =	shalt  }
0x44: {  	_ =	shalt  }
0x45: {  	_ =	shalt  }
0x46: {  	_ =	shalt  }
0x47: {  	_ =	shalt  }
0x48: {  	_ =	shalt  }
0x49: {  	_ =	shalt  }
0x4a: {  	_ =	shalt  }
0x4b: {  	_ =	shalt  }
0x4c: {  	_ =	shalt  }
0x4d: {  	_ =	shalt  }
0x4e: {  	_ =	shalt  }
0x4f: {  	_ =	shalt  }
0x50: {  	_ =	shalt  }
0x51: {  	_ =	shalt  }
0x52: {  	_ =	shalt  }
0x53: {  	_ =	shalt  }
0x54: {  	_ =	shalt  }
0x55: {  	_ =	shalt  }
0x56: {  	_ =	shalt  }
0x57: {  	_ =	shalt  }
0x58: {  	_ =	shalt  }
0x59: {  	_ =	shalt  }
0x5a: {  	_ =	shalt  }
0x5b: {  	_ =	shalt  }
0x5c: {  	_ =	shalt  }
0x5d: {  	_ =	shalt  }
0x5e: {  	_ =	shalt  }
0x5f: {  	_ =	shalt  }
0x60: {  	_ =	shalt  }
0x61: {  	_ =	shalt  }
0x62: {  	_ =	shalt  }
0x63: {  	_ =	shalt  }
0x64: {  	_ =	shalt  }
0x65: {  	_ =	shalt  }
0x66: {  	_ =	shalt  }
0x67: {  	_ =	shalt  }
0x68: {  	_ =	shalt  }
0x69: {  	_ =	shalt  }
0x6a: {  	_ =	shalt  }
0x6b: {  	_ =	shalt  }
0x6c: {  	_ =	shalt  }
0x6d: {  	_ =	shalt  }
0x6e: {  	_ =	shalt  }
0x6f: {  	_ =	shalt  }
0x70: {  	_ =	shalt  }
0x71: {  	_ =	shalt  }
0x72: {  	_ =	shalt  }
0x73: {  	_ =	shalt  }
0x74: {  	_ =	shalt  }
0x75: {  	_ =	shalt  }
0x76: {  	_ =	shalt  }
0x77: {  	_ =	shalt  }
0x78: {  	_ =	shalt  }
0x79: {  	_ =	shalt  }
0x7a: {  	_ =	shalt  }
0x7b: {  	_ =	shalt  }
0x7c: {  	_ =	shalt  }
0x7d: {  	_ =	shalt  }
0x7e: {  	_ =	shalt  }
0x7f: {  	_ =	shalt  }
0x80: {  	_ =	shalt  }
0x81: {  	_ =	shalt  }
0x82: {  	_ =	shalt  }
0x83: {  	_ =	shalt  }
0x84: {  	_ =	shalt  }
0x85: {  	_ =	shalt  }
0x86: {  	_ =	shalt  }
0x87: {  	_ =	shalt  }
.Lfunc_end0:
.L_simem_size_0:
called_computation.1_lowered:
.L_overlay_start_0:
0x88: {  	s2 =	sld [smem:$0x3FD9]  }
0x89: {  	s3 =	sld [smem:$0x3FFE];
	_ =	sdelay $0x1  }
0x8a: {  	s1 =	srdreg.scid  }
0x8b: {  	s0 =	sand.u32 $0x1, s1  }
0x8c: {  	s17 =	sshll.u32 s0, $0xA;
	s2 =	sadd.s32 s3, s2  }
0x8d: {  	s2 =	sadd.s32 s2, s17  }
0x8e: {  	[smem:$0x3FC0] =	sst s2  }
0x8f: {  	_ = 	snop  }
0x90: {  	s2 =	sld [smem:$0x3FD0];
	(tm) =	ssettm $0x1  }
0x91: {  	s18 =	sld [smem:$0x3FFB];
	_ =	sdelay $0x3  }
0x92: {  	_ =	strace s18  }
0x93: {  	s3 =	sld [smem:$0x3FFC];
	_ =	sdelay $0x3  }
0x94: {  	_ =	strace s3  }
0x95: {  	s3 =	sld [smem:$0x3FFD];
	_ =	sdelay $0x3  }
0x96: {  	_ =	strace s3  }
0x97: {  	_ =	strace $0x8FFFFFFF  }
0x98: {  	s19 =	sld [smem:$0x3FDB];
	_ =	sdelay $0x1  }
0x99: {  	s4 =	simm.s32 $_scs_section_size  }
0x9a: {  	s5 =	simm.s32 $_size__tile_overlayer_lowered;
	s6 =	simm.s32 $_tile_overlayer_lowered  }
0x9b: {  	s22 =	simm.s32 $0x1BFF;
	s21 =	sshll.u32 s6, $0x1;
	s3 =	sadd.s32 s4, s19  }
0x9c: {  	s7 =	simm.s32 $0x0;
	s20 =	sshll.u32 s5, $0x1;
	s5 =	sadd.s32 s21, s3  }
0x9d: {  	[timem:s7], [sflag:s22] =	dma.local [hbm:s5], s20  }
0x9e: {  	_ =	swait.ge [sflag:s22], s20  }
0x9f: {  	s4 =	ssub.s32 $0x0, s20;
	[sflag:s22] =	ssyncset.done $0x0  }
0xa0: {  	[sflag:s22] =	ssyncadd.s32 s4;
	_ =	sdelay $0x1  }
0xa1: {  	s23 =	simm.s32 $0x1B8B  }
0xa2: {  	_ =	swait.ge [sflag:s23], $0x1  }
0xa3: {  	[sflag:s23] =	ssyncset.done $0x0  }
0xa4: {  	s25 =	simm.s32 $0x1B8E;
	s24 =	sld [smem:$0x3FFE];
	[sflag:s23] =	ssyncadd.s32 $0xFFFFFFFF  }
0xa5: {  	s26 =	simm.s32 $execute0_lowered;
	[smem:$0x3FD2] =	sst s25  }
0xa6: {  	s5 =	sshll.u32 s26, $0x1;
	_ =	strace $0x80000046;
	[dreg:$0x1] =	wrdreg $0xFFFFFFFF  }
0xa7: {  	s28 =	simm.s32 $_size_execute0_lowered;
	s3 =	sadd.s32 s3, s5;
	[dreg:$0x0] =	wrdreg $0x0  }
0xa8: {  	s5 =	sshll.u32 s28, $0x1;
	[dreg:$0x2] =	wrdreg s3  }
0xa9: {  	[dreg:$0x3] =	wrdreg s5  }
0xaa: {  	[dreg:$0x4] =	wrdreg $0xC0  }
0xab: {  	_ =	task [dreg:s7], $0x5FFFF  }
0xac: {  	[dreg:$0x1] =	wrdreg $0xFFFFFFFF  }
0xad: {  	[dreg:$0x0] =	wrdreg $0x60  }
0xae: {  	[dreg:$0x2] =	wrdreg s24  }
0xaf: {  	[dreg:$0x3] =	wrdreg s2  }
0xb0: {  	[dreg:$0x4] =	wrdreg $0x70000  }
0xb1: {  	[dreg:$0x5] =	wrdreg $0x110000  }
0xb2: {  	[dreg:$0x6] =	wrdreg $0xA  }
0xb3: {  	_ =	task.clear_ibuf [dreg:s7], $0x7FFFF;
	_ =	strace $0x90000046  }
0xb4: {  	s29 =	simm.s32 $0xA;
	_ =	strace $0x80000048  }
0xb5: {  	_ =	swait.ge [sflag:s29], $0x1  }
0xb6: {  	[sflag:s29] =	ssyncadd.s32 $0xFFFFFFFF  }
0xb7: {  	_ =	strace $0x90000048  }
0xb8: {  	_ =	sfence  }
0xb9: {  	s30 =	sld [smem:$0x0];
	_ =	sdelay $0x2  }
0xba: {  	s31 =	sshll.u32 s1, $0xD;
	s1 =	sshrl.u32 s1, $0x2  }
0xbb: {  	s3 =	sand.u32 $0x4000, s31;
	s1 =	sadd.s32 s1, s30  }
0xbc: {  	s0 =	sor.u32 s3, s0;
	s1 =	sshll.u32 s1, $0x11  }
0xbd: {  	s0 =	sor.u32 s1, s0  }
0xbe: {  	s0 =	sadd.s32 $0x8F2B, s0  }
0xbf: {  	[sflag:s0] =	ssyncadd.remote.s32 $0x1  }
0xc0: {  	_ =	sfence.sel $0xFFFF  }
0xc1: {  	[dreg:$0x0] =	wrdreg $0xFFFFFFFF;
	(pc) =	sbr.abs _section_cstart, $3  }
0xc2: {  	[dreg:$0x1] =	wrdreg $0xFFFFFFFF  }
0xc3: {  	_ =	task.clear_ibuf [dreg:s7], $0x2FFFF;
	_ =	strace $0x9FFFFFFF  }
0xc4: {  	(tm) =	ssettm $0x7FFFFFFF  }
0xc5: {  	_ =	shalt  }
tec
execute0_lowered:
.L_overlay_start_1:
0x0: {  	(tag) =	ssettag $0x1  }
0x1: {  	s5 =	rddreg [dreg:$0x0]  }
0x2: {  	s6 =	rddreg [dreg:$0x1]  }
0x3: {  	s2 =	rddreg [dreg:$0x2]  }
0x4: {  	s3 =	rddreg [dreg:$0x3]  }
0x5: {  	s0 =	rddreg [dreg:$0x4]  }
0x6: {  	s1 =	stileid.u32;
	s7 =	srdreg.scid  }
0x7: {  	s4 =	simm.s32 $0x0;
	s15 =	simm.s32 $0x2;
	s16 =	simm.s32 $0x2800  }
0x8: {  	s17 =	simm.s32 $0x5000;
	s20 =	simm.s32 $0x80;
	s21 =	simm.s32 $0x1  }
0x9: {  	s23 =	simm.s32 $0x0;
	s10 =	smul.u32 $0xA000, s1;
	s7 =	sand.u32 $0x1, s7  }
0xa: {  	[smem:$0x7FF] =	sst s4;
	s8 =	sshll.u32 s1, $0x1;
	s12 =	smul.u32 $0x28000, s1  }
0xb: {  	s18 =	sshll.u32 s1, $0x6;
	s9 =	smul.u32 $0xA0000, s7;
	_ =	strace $0x80000047  }
0xc: {  	s8 =	sor.u32 s7, s8;
	s7 =	ssub.s32 $0x2, s7;
	s18 =	sor.u32 $0x1C02, s18  }
0xd: {  	s11 =	sshrl.u32 s10, $0x3;
	s8 =	smul.u32 $0x500, s8;
	s30 =	sshrl.u32 s7, $0x1  }
0xe: {  	s31 =	sshrl.u32 s12, $0x2;
	s19 =	sadd.s32 s10, s3;
	s22 =	sadd.s32 s10, s2  }
0xf: {  	s11 =	sadd.s32 s11, s5;
	s9 =	sadd.s32 s10, s9;
	s14 =	ssub.s32 s7, s30  }
0x10: {  	s7 =	sadd.s32 s31, s2;
	s19 =	sshrl.u32 s19, $0x3;
	s22 =	sshrl.u32 s22, $0x3  }
0x11: {  	s9 =	sshrl.u32 s9, $0x3;
	s13 =	sadd.s32 s8, s5;
	s10 =	smax.u32 s14, $0x1  }
0x12: {  	s12 =	sadd.s32 $0x4000, s7;
	s14 =	sadd.s32 $0x8000, s7;
	s9 =	sadd.s32 s9, s5  }
0x13: {  	s5 =	sadd.s32 s6, s8;
	s6 =	sadd.s32 $0x15A00, s13;
	s8 =	sadd.s32 $0x1A00, s11  }
0x14: {  	v0 =	vimm.f32 $0.0e+00;
	s11 =	sadd.s32 $0x2000, s7;
	s13 =	sadd.s32 $0x6000, s7;
	s9 =	sadd.s32 $0x1FA00, s9  }
.LBB2_1:
0x15: {  	[tilespmem:s4], [sflag:$0x2] =	stream.linear.gather [hbm4b:s5+s4], $0x2800, $0x38;
	[tilespmem:$0x1B000] =	vst v63  }
0x16: {  	_ =	swait.ge [sflag:s15], $0x2800  }
0x17: {  	[sflag:s15] =	ssyncset.done $0x0  }
0x18: {  	[sflag:s15] =	ssyncadd.s32 $0xFFFFD800  }
0x19: {  	[tilespmem:s16], [sflag:$0x2] =	stream.linear.gather [hbm4b:s6+s4], $0x2800, $0x38;
	[tilespmem:$0x1B000] =	vst v63  }
0x1a: {  	_ =	swait.ge [sflag:s15], $0x2800  }
0x1b: {  	[sflag:s15] =	ssyncset.done $0x0  }
0x1c: {  	s25 =	simm.s32 $0x100;
	s24 =	simm.s32 $0x0;
	[sflag:s15] =	ssyncadd.s32 $0xFFFFD800  }
.LBB2_2:
0x1d: {  	p0 =	sne.s32 s25, $0x7F00;
	[tilespmem:s24+$0x5030] =	vst v0;
	s26 =	smov.u32 s25;
	s25 =	sadd.s32 $0x100, s25  }
.Ltmp0:
0x1e: {  	[tilespmem:s24+$0x5020] =	vst v0;
	(pc) =	sbr.rel @p0 .LBB2_2-.Ltmp0, $3  }
0x1f: {  	[tilespmem:s24+$0x5000] =	vst v0  }
0x20: {  	[tilespmem:s24+$0x5010] =	vst v0;
	_ =	sdelay $0x1  }
0x21: {  	s24 =	sshra.s32 s26, $0x2  }
0x22: {  	[tilespmem:s24+$0x5030] =	vst v0  }
0x23: {  	[tilespmem:s24+$0x5020] =	vst v0  }
0x24: {  	[tilespmem:s24+$0x5000] =	vst v0  }
0x25: {  	[tilespmem:s24+$0x5010] =	vst v0  }
0x26: {  	[spmem:s7] =	stream.linear.scatter [tilespmem:s17], [sflag:$0x2], $0x2000, $0x38;
	[tilespmem:$0x1B000] =	vst v63  }
0x27: {  	_ =	swait.ge [sflag:s15], $0x2000  }
0x28: {  	[sflag:s15] =	ssyncset.done $0x0  }
0x29: {  	[sflag:s15] =	ssyncadd.s32 $0xFFFFE000  }
0x2a: {  	[spmem:s11] =	stream.linear.scatter [tilespmem:s17], [sflag:$0x2], $0x2000, $0x38;
	[tilespmem:$0x1B000] =	vst v63  }
0x2b: {  	_ =	swait.ge [sflag:s15], $0x2000  }
0x2c: {  	[sflag:s15] =	ssyncset.done $0x0  }
0x2d: {  	[sflag:s15] =	ssyncadd.s32 $0xFFFFE000  }
0x2e: {  	[spmem:s12] =	stream.linear.scatter [tilespmem:s17], [sflag:$0x2], $0x2000, $0x38;
	[tilespmem:$0x1B000] =	vst v63  }
0x2f: {  	_ =	swait.ge [sflag:s15], $0x2000  }
0x30: {  	[sflag:s15] =	ssyncset.done $0x0  }
0x31: {  	[sflag:s15] =	ssyncadd.s32 $0xFFFFE000  }
0x32: {  	[spmem:s13] =	stream.linear.scatter [tilespmem:s17], [sflag:$0x2], $0x2000, $0x38;
	[tilespmem:$0x1B000] =	vst v63  }
0x33: {  	_ =	swait.ge [sflag:s15], $0x2000  }
0x34: {  	[sflag:s15] =	ssyncset.done $0x0  }
0x35: {  	[sflag:s15] =	ssyncadd.s32 $0xFFFFE000  }
0x36: {  	[spmem:s14] =	stream.linear.scatter [tilespmem:s17], [sflag:$0x2], $0x2000, $0x38;
	[tilespmem:$0x1B000] =	vst v63  }
0x37: {  	_ =	swait.ge [sflag:s15], $0x2000  }
0x38: {  	[sflag:s15] =	ssyncset.done $0x0  }
0x39: {  	[sflag:s15] =	ssyncadd.s32 $0xFFFFE000  }
0x3a: {  	[spmem:s19], [sflag:s18] =	dma.local [hbm:s8], $0x1400  }
0x3b: {  	_ =	swait.ge [sflag:s15], $0x1400  }
0x3c: {  	[sflag:s15] =	ssyncset.done $0x0  }
0x3d: {  	[sflag:s15] =	ssyncadd.s32 $0xFFFFEC00  }
0x3e: {  	s30 =	simm.s32 $0x0;
	[bflag:$0x0] =	sbarrier.arrive $0xFFFF  }
0x3f: {  	[tilespmem:s17], [sflag:$0x1] =	stream.indirect.gather [spmem:s3], $0x40, s30, s20, $0xb8;
	[tilespmem:$0x1B000] =	vst v63  }
0x40: {  	_ =	swait.ge [sflag:s21], $0x2000  }
0x41: {  	[sflag:s21] =	ssyncset.done $0x0  }
0x42: {  	s31 =	simm.s32 $0x2800;
	[sflag:s21] =	ssyncadd.s32 $0xFFFFE000  }
0x43: {  	[spmem:s2] =	stream.indirect.scatter.add.f32 [tilespmem:s17], [sflag:$0x2], $0x40, s31, s20, $0xb8;
	[tilespmem:$0x1B000] =	vst v63  }
0x44: {  	_ =	swait.ge [sflag:s15], $0x2000  }
0x45: {  	s24 =	simm.s32 $0x200;
	s25 =	simm.s32 $0x400;
	[sflag:s15] =	ssyncset.done $0x0  }
.LBB2_4:
0x46: {  	s26 =	sshra.s32 s24, $0x2  }
0x47: {  	[sflag:s15] =	ssyncadd.s32 $0xFFFFE000;
	s24 =	smov.u32 s25;
	s28 =	sadd.s32 $0x200, s25  }
0x48: {  	[tilespmem:s17], [sflag:$0x1] =	stream.indirect.gather [spmem:s3], $0x40, s26, s20, $0xb8;
	[tilespmem:$0x1B000] =	vst v63  }
0x49: {  	p0 =	sne.s32 s25, $0x9E00;
	_ =	swait.ge [sflag:s21], $0x2000  }
.Ltmp1:
0x4a: {  	[sflag:s21] =	ssyncset.done $0x0;
	(pc) =	sbr.rel @p0 .LBB2_4-.Ltmp1, $4  }
0x4b: {  	s25 =	sadd.s32 $0x2800, s26;
	[sflag:s21] =	ssyncadd.s32 $0xFFFFE000  }
0x4c: {  	[spmem:s2] =	stream.indirect.scatter.add.f32 [tilespmem:s17], [sflag:$0x2], $0x40, s25, s20, $0xb8;
	[tilespmem:$0x1B000] =	vst v63  }
0x4d: {  	_ =	swait.ge [sflag:s15], $0x2000  }
0x4e: {  	s25 =	smov.u32 s28;
	[sflag:s15] =	ssyncset.done $0x0  }
0x4f: {  	s24 =	sshra.s32 s24, $0x2;
	[sflag:s15] =	ssyncadd.s32 $0xFFFFE000  }
0x50: {  	[tilespmem:s17], [sflag:$0x1] =	stream.indirect.gather [spmem:s3], $0x40, s24, s20, $0xb8;
	[tilespmem:$0x1B000] =	vst v63  }
0x51: {  	_ =	swait.ge [sflag:s21], $0x2000  }
0x52: {  	[sflag:s21] =	ssyncset.done $0x0  }
0x53: {  	s24 =	sadd.s32 $0x2800, s24;
	[sflag:s21] =	ssyncadd.s32 $0xFFFFE000  }
0x54: {  	[spmem:s2] =	stream.indirect.scatter.add.f32 [tilespmem:s17], [sflag:$0x2], $0x40, s24, s20, $0xb8;
	[tilespmem:$0x1B000] =	vst v63  }
0x55: {  	_ =	swait.ge [sflag:s15], $0x2000  }
0x56: {  	s23 =	sadd.s32 $0x1, s23;
	[sflag:s15] =	ssyncset.done $0x0  }
0x57: {  	p0 =	sne.s32 s23, s10;
	[sflag:s15] =	ssyncadd.s32 $0xFFFFE000  }
.Ltmp2:
0x58: {  	[bflag:$0x0] =	sbarrier.arrive $0xFFFF;
	(pc) =	sbr.rel @p0 .LBB2_1-.Ltmp2, $4  }
0x59: {  	[hbm:s9], [sflag:s18] =	dma.local [spmem:s22], $0x1400  }
0x5a: {  	_ =	swait.ge [sflag:s15], $0x1400  }
0x5b: {  	[sflag:s15] =	ssyncset.done $0x0  }
0x5c: {  	[sflag:s15] =	ssyncadd.s32 $0xFFFFEC00  }
0x5d: {  	_ =	sfence.sel $0x180000  }
0x5e: {  	[bflag:$0x0] =	sbarrier.arrive $0xFFFF  }
0x5f: {  	p0 =	sne.s32 s1, $0x0;
	_ =	strace $0x90000047  }
0x60: {  	s0 =	sadd.s32 @!p0 $0x100000, s0;
	[bflag:$0x2] =	sbarrier.arrive $0xFFFF  }
0x61: {  	[sflag:s0] =	ssyncadd.tile.s32 @!p0 $0x1;
	_ =	shalt  }
.Lfunc_end2:
_tile_overlayer_lowered:
.L_overlay_start_2:
0x62: {  	(tag) =	ssettag $0x2  }
0x63: {  	s0 =	rddreg [dreg:$0x0];
	s2 =	stileid.u32  }
0x64: {  	s1 =	rddreg [dreg:$0x1];
	p0 =	sne.s32 s2, $0x0  }
0x65: {  	s3 =	rddreg [dreg:$0x2];
	[bflag:$0x3] =	sbarrier.arrive $0xFFFF;
	s2 =	simm.s32 @!p0 $0x1C02  }
0x66: {  	[timem:s3], [sflag:s2] =	dma.local @!p0 [hbm:s0], s1  }
0x67: {  	s0 =	simm.s32 @!p0 $0x2  }
0x68: {  	_ =	swait.ge @!p0 [sflag:s0], s1  }
0x69: {  	s1 =	ssub.s32 @!p0 $0x0, s1;
	[sflag:s0] =	ssyncset.done @!p0 $0x0  }
0x6a: {  	[sflag:s0] =	ssyncadd.s32 @!p0 s1  }
0x6b: {  	[bflag:$0x3] =	sbarrier.arrive $0xFFFF  }
0x6c: {  	_ =	shalt  }

// kernel: kernel.13.cloned.1.call-start
scs
__scs_entry_jumppad:
0x0: {  	(pc) =	sbr.rel $0x88, $3  }
0x1: {  	(tag) =	ssettag $0x0;
	lr =	simm.s32 $0x1  }
0x2: {  	[smem:$0x3F99] =	sst lr;
	_ =	strace $0xD0000000  }
0x3: {  	_ = 	snop  }
0x4: {  	_ = 	snop  }
0x5: {  	_ = 	snop  }
0x6: {  	_ = 	snop  }
0x7: {  	_ = 	snop  }
__scs_overlays_trampoline_lowered:
0x8: {  	[smem:$0x3FA8] =	sst s0  }
0x9: {  	[smem:$0x3FA9] =	sst s1  }
0xa: {  	[smem:$0x3FAA] =	sst s2  }
0xb: {  	[smem:$0x3FAB] =	sst s3  }
0xc: {  	[smem:$0x3FAC] =	sst s4  }
0xd: {  	[smem:$0x3FAD] =	sst s5  }
0xe: {  	[smem:$0x3FAE] =	sst s6  }
0xf: {  	[smem:$0x3FAF] =	sst s7  }
0x10: {  	[smem:$0x3FB0] =	sst s8  }
0x11: {  	[smem:$0x3FB1] =	sst s9;
	s0 =	simm.s32 @!p0 $0x0  }
0x12: {  	s1 =	sld [smem:$0x3F97];
	s0 =	simm.s32 @p0 $0x1  }
0x13: {  	[smem:$0x3FB2] =	sst s0;
	s0 =	simm.s32 @!p1 $0x0  }
0x14: {  	s2 =	sld [smem:$0x3F96];
	s0 =	simm.s32 @p1 $0x1  }
0x15: {  	[smem:$0x3FB3] =	sst s0;
	s0 =	simm.s32 @!p2 $0x0  }
0x16: {  	s3 =	sld [smem:$0x3FDB];
	s0 =	simm.s32 @p2 $0x1  }
0x17: {  	s4 =	simm.s32 $0x1BF5;
	[smem:$0x3FB5] =	sst s0  }
0x18: {  	s0 =	sld [smem:$0x3F98];
	_ =	swait.ge [sflag:s4], $0x0  }
0x19: {  	s7 =	sld [smem:$0x3F99]  }
0x1a: {  	s8 =	sadd.s32 $0xFFFFE003, lr  }
0x1b: {  	s9 =	sadd.s32 $0xFFFFFEF7, lr;
	s5 =	simm.s32 $0xFFFFFFFF;
	p2 =	slt.u32 s8, $0xFFFFF086  }
0x1c: {  	p1 =	slt.u32 s9, $0xF7A;
	s5 =	simm.s32 @!p2 $0x0  }
0x1d: {  	s5 =	simm.s32 @p1 $0x1;
	p0 =	seq.s32 s7, s2  }
0x1e: {  	s7 =	smul.u32 @!p0 $0xF7A, s2;
	p2 =	seq.s32 @!p0 s5, $0x0  }
0x1f: {  	s9 =	smul.u32 $0xF7A, s1;
	s8 =	simm.s32 @!p0 $0x1BF5;
	p2 =	por !p2, p0  }
0x20: {  	[sflag:s8] =	ssyncset.s32 @!p0 $0xFFFFF086;
	s6 =	sadd.s32 @!p0 s3, s7;
	s7 =	simm.s32 @!p0 $0x108  }
0x21: {  	s3 =	sadd.s32 s3, s9;
	s6 =	sadd.s32 @!p0 $0x88, s6;
	s7 =	simm.s32 @p2 $0x1082  }
0x22: {  	[simem:s7], [sflag:s8] =	dma.local @!p0 [hbm:s6], $0xF7A  }
0x23: {  	s9 =	sor.u32 $0xD0000000, s2;
	s6 =	simm.s32 $0x108;
	_ =	swait.ge @!p0 [sflag:s8], $0x0  }
0x24: {  	s3 =	sadd.s32 $0x88, s3;
	s6 =	simm.s32 @!p1 $0x1082;
	[sflag:s4] =	ssyncset.s32 $0xFFFFF086  }
0x25: {  	[simem:s6], [sflag:s4] =	dma.local [hbm:s3], $0xF7A  }
0x26: {  	[smem:$0x3F99] =	sst s1;
	(tag) =	ssettag s2;
	_ =	strace s9  }
0x27: {  	s1 =	sld [smem:$0x3FA9]  }
0x28: {  	s2 =	sld [smem:$0x3FAA]  }
0x29: {  	s4 =	sld [smem:$0x3FAC]  }
0x2a: {  	p0 =	seq.s32 s5, $0x0;
	s5 =	sld [smem:$0x3FAD]  }
0x2b: {  	s6 =	sld [smem:$0x3FAE]  }
0x2c: {  	s7 =	sld [smem:$0x3FAF]  }
0x2d: {  	s3 =	simm.s32 $0x108;
	s8 =	sld [smem:$0x3FB0]  }
0x2e: {  	s3 =	simm.s32 @!p0 $0x1082;
	s9 =	sld [smem:$0x3FB1]  }
0x2f: {  	lr =	sadd.s32 s0, s3;
	s0 =	sld [smem:$0x3FA8]  }
0x30: {  	s3 =	sld [smem:$0x3FAB]  }
0x31: {  	[smem:$0x3FB4] =	sst s10  }
0x32: {  	s10 =	sld [smem:$0x3FB2];
	_ =	sdelay $0x3  }
0x33: {  	p0 =	seq.s32 s10, $0x1;
	s10 =	sld [smem:$0x3FB4];
	_ =	sdelay $0x3  }
0x34: {  	[smem:$0x3FB4] =	sst s10  }
0x35: {  	s10 =	sld [smem:$0x3FB3];
	_ =	sdelay $0x3  }
0x36: {  	p1 =	seq.s32 s10, $0x1;
	s10 =	sld [smem:$0x3FB4];
	_ =	sdelay $0x3  }
0x37: {  	[smem:$0x3FB4] =	sst s10  }
0x38: {  	s10 =	sld [smem:$0x3FB5]  }
0x39: {  	_ = 	snop;
	(pc) =	sbr.ind lr, $3  }
0x3a: {  	_ = 	snop  }
0x3b: {  	_ = 	snop  }
0x3c: {  	p2 =	seq.s32 s10, $0x1;
	s10 =	sld [smem:$0x3FB4]  }
0x3d: {  	_ =	shalt  }
0x3e: {  	_ =	shalt  }
0x3f: {  	_ =	shalt  }
0x40: {  	_ =	shalt  }
0x41: {  	_ =	shalt  }
0x42: {  	_ =	shalt  }
0x43: {  	_ =	shalt  }
0x44: {  	_ =	shalt  }
0x45: {  	_ =	shalt  }
0x46: {  	_ =	shalt  }
0x47: {  	_ =	shalt  }
0x48: {  	_ =	shalt  }
0x49: {  	_ =	shalt  }
0x4a: {  	_ =	shalt  }
0x4b: {  	_ =	shalt  }
0x4c: {  	_ =	shalt  }
0x4d: {  	_ =	shalt  }
0x4e: {  	_ =	shalt  }
0x4f: {  	_ =	shalt  }
0x50: {  	_ =	shalt  }
0x51: {  	_ =	shalt  }
0x52: {  	_ =	shalt  }
0x53: {  	_ =	shalt  }
0x54: {  	_ =	shalt  }
0x55: {  	_ =	shalt  }
0x56: {  	_ =	shalt  }
0x57: {  	_ =	shalt  }
0x58: {  	_ =	shalt  }
0x59: {  	_ =	shalt  }
0x5a: {  	_ =	shalt  }
0x5b: {  	_ =	shalt  }
0x5c: {  	_ =	shalt  }
0x5d: {  	_ =	shalt  }
0x5e: {  	_ =	shalt  }
0x5f: {  	_ =	shalt  }
0x60: {  	_ =	shalt  }
0x61: {  	_ =	shalt  }
0x62: {  	_ =	shalt  }
0x63: {  	_ =	shalt  }
0x64: {  	_ =	shalt  }
0x65: {  	_ =	shalt  }
0x66: {  	_ =	shalt  }
0x67: {  	_ =	shalt  }
0x68: {  	_ =	shalt  }
0x69: {  	_ =	shalt  }
0x6a: {  	_ =	shalt  }
0x6b: {  	_ =	shalt  }
0x6c: {  	_ =	shalt  }
0x6d: {  	_ =	shalt  }
0x6e: {  	_ =	shalt  }
0x6f: {  	_ =	shalt  }
0x70: {  	_ =	shalt  }
0x71: {  	_ =	shalt  }
0x72: {  	_ =	shalt  }
0x73: {  	_ =	shalt  }
0x74: {  	_ =	shalt  }
0x75: {  	_ =	shalt  }
0x76: {  	_ =	shalt  }
0x77: {  	_ =	shalt  }
0x78: {  	_ =	shalt  }
0x79: {  	_ =	shalt  }
0x7a: {  	_ =	shalt  }
0x7b: {  	_ =	shalt  }
0x7c: {  	_ =	shalt  }
0x7d: {  	_ =	shalt  }
0x7e: {  	_ =	shalt  }
0x7f: {  	_ =	shalt  }
0x80: {  	_ =	shalt  }
0x81: {  	_ =	shalt  }
0x82: {  	_ =	shalt  }
0x83: {  	_ =	shalt  }
0x84: {  	_ =	shalt  }
0x85: {  	_ =	shalt  }
0x86: {  	_ =	shalt  }
0x87: {  	_ =	shalt  }
.Lfunc_end0:
.L_simem_size_0:
called_computation.2_lowered:
.L_overlay_start_0:
0x88: {  	s2 =	sld [smem:$0x3FD9]  }
0x89: {  	s3 =	sld [smem:$0x3FFE];
	_ =	sdelay $0x1  }
0x8a: {  	s1 =	srdreg.scid  }
0x8b: {  	s0 =	sand.u32 $0x1, s1  }
0x8c: {  	s17 =	sshll.u32 s0, $0xA;
	s2 =	sadd.s32 s3, s2  }
0x8d: {  	s2 =	sadd.s32 s2, s17  }
0x8e: {  	[smem:$0x3FC0] =	sst s2  }
0x8f: {  	_ = 	snop  }
0x90: {  	s2 =	sld [smem:$0x3FD0];
	(tm) =	ssettm $0x1  }
0x91: {  	s18 =	sld [smem:$0x3FFB];
	_ =	sdelay $0x3  }
0x92: {  	_ =	strace s18  }
0x93: {  	s3 =	sld [smem:$0x3FFC];
	_ =	sdelay $0x3  }
0x94: {  	_ =	strace s3  }
0x95: {  	s3 =	sld [smem:$0x3FFD];
	_ =	sdelay $0x3  }
0x96: {  	_ =	strace s3  }
0x97: {  	_ =	strace $0x8FFFFFFF  }
0x98: {  	s19 =	sld [smem:$0x3FDB];
	_ =	sdelay $0x1  }
0x99: {  	s4 =	simm.s32 $_scs_section_size  }
0x9a: {  	s5 =	simm.s32 $_size__tile_overlayer_lowered;
	s6 =	simm.s32 $_tile_overlayer_lowered  }
0x9b: {  	s22 =	simm.s32 $0x1BFF;
	s21 =	sshll.u32 s6, $0x1;
	s3 =	sadd.s32 s4, s19  }
0x9c: {  	s7 =	simm.s32 $0x0;
	s20 =	sshll.u32 s5, $0x1;
	s5 =	sadd.s32 s21, s3  }
0x9d: {  	[timem:s7], [sflag:s22] =	dma.local [hbm:s5], s20  }
0x9e: {  	_ =	swait.ge [sflag:s22], s20  }
0x9f: {  	s4 =	ssub.s32 $0x0, s20;
	[sflag:s22] =	ssyncset.done $0x0  }
0xa0: {  	[sflag:s22] =	ssyncadd.s32 s4;
	_ =	sdelay $0x1  }
0xa1: {  	s23 =	simm.s32 $0x1B8B  }
0xa2: {  	_ =	swait.ge [sflag:s23], $0x1  }
0xa3: {  	[sflag:s23] =	ssyncset.done $0x0  }
0xa4: {  	s25 =	simm.s32 $0x1B8E;
	s24 =	sld [smem:$0x3FFE];
	[sflag:s23] =	ssyncadd.s32 $0xFFFFFFFF  }
0xa5: {  	s26 =	simm.s32 $execute0_lowered;
	[smem:$0x3FD2] =	sst s25  }
0xa6: {  	s5 =	sshll.u32 s26, $0x1;
	_ =	strace $0x8000004C;
	[dreg:$0x1] =	wrdreg $0xFFFFFFFF  }
0xa7: {  	s28 =	simm.s32 $_size_execute0_lowered;
	s3 =	sadd.s32 s3, s5;
	[dreg:$0x0] =	wrdreg $0x0  }
0xa8: {  	s5 =	sshll.u32 s28, $0x1;
	[dreg:$0x2] =	wrdreg s3  }
0xa9: {  	[dreg:$0x3] =	wrdreg s5  }
0xaa: {  	[dreg:$0x4] =	wrdreg $0xC0  }
0xab: {  	_ =	task [dreg:s7], $0x5FFFF  }
0xac: {  	[dreg:$0x1] =	wrdreg $0xFFFFFFFF  }
0xad: {  	[dreg:$0x0] =	wrdreg $0x60  }
0xae: {  	[dreg:$0x2] =	wrdreg s24  }
0xaf: {  	[dreg:$0x3] =	wrdreg s2  }
0xb0: {  	[dreg:$0x4] =	wrdreg $0x68000  }
0xb1: {  	[dreg:$0x5] =	wrdreg $0xE0000  }
0xb2: {  	[dreg:$0x6] =	wrdreg $0x9  }
0xb3: {  	_ =	task.clear_ibuf [dreg:s7], $0x7FFFF;
	_ =	strace $0x9000004C  }
0xb4: {  	s29 =	simm.s32 $0x9;
	_ =	strace $0x8000004E  }
0xb5: {  	_ =	swait.ge [sflag:s29], $0x1  }
0xb6: {  	[sflag:s29] =	ssyncadd.s32 $0xFFFFFFFF  }
0xb7: {  	_ =	strace $0x9000004E  }
0xb8: {  	_ =	sfence  }
0xb9: {  	s30 =	sld [smem:$0x0];
	_ =	sdelay $0x2  }
0xba: {  	s31 =	sshll.u32 s1, $0xD;
	s1 =	sshrl.u32 s1, $0x2  }
0xbb: {  	s3 =	sand.u32 $0x4000, s31;
	s1 =	sadd.s32 s1, s30  }
0xbc: {  	s0 =	sor.u32 s3, s0;
	s1 =	sshll.u32 s1, $0x11  }
0xbd: {  	s0 =	sor.u32 s1, s0  }
0xbe: {  	s0 =	sadd.s32 $0x8F2B, s0  }
0xbf: {  	[sflag:s0] =	ssyncadd.remote.s32 $0x1  }
0xc0: {  	_ =	sfence.sel $0xFFFF  }
0xc1: {  	[dreg:$0x0] =	wrdreg $0xFFFFFFFF;
	(pc) =	sbr.abs _section_cstart, $3  }
0xc2: {  	[dreg:$0x1] =	wrdreg $0xFFFFFFFF  }
0xc3: {  	_ =	task.clear_ibuf [dreg:s7], $0x2FFFF;
	_ =	strace $0x9FFFFFFF  }
0xc4: {  	(tm) =	ssettm $0x7FFFFFFF  }
0xc5: {  	_ =	shalt  }
tec
execute0_lowered:
.L_overlay_start_1:
0x0: {  	(tag) =	ssettag $0x1  }
0x1: {  	s5 =	rddreg [dreg:$0x0]  }
0x2: {  	s6 =	rddreg [dreg:$0x1]  }
0x3: {  	s2 =	rddreg [dreg:$0x2]  }
0x4: {  	s3 =	rddreg [dreg:$0x3]  }
0x5: {  	s0 =	rddreg [dreg:$0x4]  }
0x6: {  	s1 =	stileid.u32;
	s4 =	srdreg.scid  }
0x7: {  	s15 =	simm.s32 $0x2;
	s16 =	simm.s32 $0x2800;
	s17 =	simm.s32 $0x5000  }
0x8: {  	s20 =	simm.s32 $0x80;
	s21 =	simm.s32 $0x1;
	s23 =	simm.s32 $0x0  }
0x9: {  	s9 =	smul.u32 $0x7800, s1;
	s7 =	sand.u32 $0x1, s4;
	s8 =	sshll.u32 s1, $0x1  }
0xa: {  	s4 =	simm.s32 $0x0;
	s13 =	smul.u32 $0x1E000, s1;
	s18 =	sshll.u32 s1, $0x6  }
0xb: {  	s8 =	sor.u32 s7, s8;
	s10 =	smul.u32 $0x78000, s7;
	[smem:$0x7FF] =	sst s4  }
0xc: {  	s7 =	ssub.s32 $0x2, s7;
	s18 =	sor.u32 $0x1C02, s18;
	s11 =	sshrl.u32 s9, $0x3  }
0xd: {  	s8 =	smul.u32 $0x500, s8;
	_ =	strace $0x8000004D;
	s30 =	sshrl.u32 s7, $0x1  }
0xe: {  	s19 =	sadd.s32 s9, s3;
	s31 =	sshrl.u32 s13, $0x2;
	s22 =	sadd.s32 s9, s2  }
0xf: {  	s11 =	sadd.s32 s11, s5;
	s10 =	sadd.s32 s9, s10;
	s14 =	ssub.s32 s7, s30  }
0x10: {  	s9 =	sadd.s32 s31, s2;
	s19 =	sshrl.u32 s19, $0x3;
	s22 =	sshrl.u32 s22, $0x3  }
0x11: {  	s12 =	sadd.s32 s8, s5;
	s10 =	sshrl.u32 s10, $0x3;
	s7 =	sadd.s32 $0x1A00, s11  }
0x12: {  	s11 =	sadd.s32 $0x1800, s9;
	s13 =	sadd.s32 $0x4800, s9;
	s10 =	sadd.s32 s10, s5  }
0x13: {  	s5 =	sadd.s32 s6, s8;
	s6 =	sadd.s32 $0x15A00, s12;
	s12 =	sadd.s32 $0x3000, s9  }
0x14: {  	v0 =	vimm.f32 $0.0e+00;
	s8 =	sadd.s32 $0x1FA00, s10;
	s10 =	smax.u32 s14, $0x1;
	s14 =	sadd.s32 $0x6000, s9  }
.LBB2_1:
0x15: {  	[tilespmem:s4], [sflag:$0x2] =	stream.linear.gather [hbm4b:s5+s4], $0x2800, $0x38;
	[tilespmem:$0x15800] =	vst v63  }
0x16: {  	_ =	swait.ge [sflag:s15], $0x2800  }
0x17: {  	[sflag:s15] =	ssyncset.done $0x0  }
0x18: {  	[sflag:s15] =	ssyncadd.s32 $0xFFFFD800  }
0x19: {  	[tilespmem:s16], [sflag:$0x2] =	stream.linear.gather [hbm4b:s6+s4], $0x2800, $0x38;
	[tilespmem:$0x15800] =	vst v63  }
0x1a: {  	_ =	swait.ge [sflag:s15], $0x2800  }
0x1b: {  	[sflag:s15] =	ssyncset.done $0x0  }
0x1c: {  	s24 =	simm.s32 $0xC0;
	s25 =	simm.s32 $0x0;
	[sflag:s15] =	ssyncadd.s32 $0xFFFFD800  }
.LBB2_2:
0x1d: {  	p0 =	sne.s32 s24, $0x5F40;
	[tilespmem:s25+$0x5020] =	vst v0;
	s26 =	smov.u32 s24;
	s24 =	sadd.s32 $0xC0, s24  }
.Ltmp0:
0x1e: {  	[tilespmem:s25+$0x5000] =	vst v0;
	(pc) =	sbr.rel @p0 .LBB2_2-.Ltmp0, $2  }
0x1f: {  	[tilespmem:s25+$0x5010] =	vst v0;
	_ =	sdelay $0x2  }
0x20: {  	s25 =	sshra.s32 s26, $0x2  }
0x21: {  	[tilespmem:s25+$0x5020] =	vst v0  }
0x22: {  	[tilespmem:s25+$0x5000] =	vst v0  }
0x23: {  	[tilespmem:s25+$0x5010] =	vst v0  }
0x24: {  	[spmem:s9] =	stream.linear.scatter [tilespmem:s17], [sflag:$0x2], $0x1800, $0x38;
	[tilespmem:$0x15800] =	vst v63  }
0x25: {  	_ =	swait.ge [sflag:s15], $0x1800  }
0x26: {  	[sflag:s15] =	ssyncset.done $0x0  }
0x27: {  	[sflag:s15] =	ssyncadd.s32 $0xFFFFE800  }
0x28: {  	[spmem:s11] =	stream.linear.scatter [tilespmem:s17], [sflag:$0x2], $0x1800, $0x38;
	[tilespmem:$0x15800] =	vst v63  }
0x29: {  	_ =	swait.ge [sflag:s15], $0x1800  }
0x2a: {  	[sflag:s15] =	ssyncset.done $0x0  }
0x2b: {  	[sflag:s15] =	ssyncadd.s32 $0xFFFFE800  }
0x2c: {  	[spmem:s12] =	stream.linear.scatter [tilespmem:s17], [sflag:$0x2], $0x1800, $0x38;
	[tilespmem:$0x15800] =	vst v63  }
0x2d: {  	_ =	swait.ge [sflag:s15], $0x1800  }
0x2e: {  	[sflag:s15] =	ssyncset.done $0x0  }
0x2f: {  	[sflag:s15] =	ssyncadd.s32 $0xFFFFE800  }
0x30: {  	[spmem:s13] =	stream.linear.scatter [tilespmem:s17], [sflag:$0x2], $0x1800, $0x38;
	[tilespmem:$0x15800] =	vst v63  }
0x31: {  	_ =	swait.ge [sflag:s15], $0x1800  }
0x32: {  	[sflag:s15] =	ssyncset.done $0x0  }
0x33: {  	[sflag:s15] =	ssyncadd.s32 $0xFFFFE800  }
0x34: {  	[spmem:s14] =	stream.linear.scatter [tilespmem:s17], [sflag:$0x2], $0x1800, $0x38;
	[tilespmem:$0x15800] =	vst v63  }
0x35: {  	_ =	swait.ge [sflag:s15], $0x1800  }
0x36: {  	[sflag:s15] =	ssyncset.done $0x0  }
0x37: {  	[sflag:s15] =	ssyncadd.s32 $0xFFFFE800  }
0x38: {  	[spmem:s19], [sflag:s18] =	dma.local [hbm:s7], $0xF00  }
0x39: {  	_ =	swait.ge [sflag:s15], $0xF00  }
0x3a: {  	[sflag:s15] =	ssyncset.done $0x0  }
0x3b: {  	[sflag:s15] =	ssyncadd.s32 $0xFFFFF100  }
0x3c: {  	s24 =	simm.s32 $0x0;
	[bflag:$0x0] =	sbarrier.arrive $0xFFFF  }
0x3d: {  	[tilespmem:s17], [sflag:$0x1] =	stream.indirect.gather [spmem:s3], $0x30, s24, s20, $0xb8;
	[tilespmem:$0x15800] =	vst v63  }
0x3e: {  	_ =	swait.ge [sflag:s21], $0x1800  }
0x3f: {  	[sflag:s21] =	ssyncset.done $0x0  }
0x40: {  	s31 =	simm.s32 $0x2800;
	[sflag:s21] =	ssyncadd.s32 $0xFFFFE800  }
0x41: {  	[spmem:s2] =	stream.indirect.scatter.add.f32 [tilespmem:s17], [sflag:$0x2], $0x30, s31, s20, $0xb8;
	[tilespmem:$0x15800] =	vst v63  }
0x42: {  	_ =	swait.ge [sflag:s15], $0x1800  }
0x43: {  	s25 =	simm.s32 $0x400;
	s24 =	simm.s32 $0x200;
	[sflag:s15] =	ssyncset.done $0x0  }
.LBB2_4:
0x44: {  	s26 =	sshra.s32 s24, $0x2  }
0x45: {  	[sflag:s15] =	ssyncadd.s32 $0xFFFFE800;
	s24 =	smov.u32 s25;
	s28 =	sadd.s32 $0x200, s25  }
0x46: {  	[tilespmem:s17], [sflag:$0x1] =	stream.indirect.gather [spmem:s3], $0x30, s26, s20, $0xb8;
	[tilespmem:$0x15800] =	vst v63  }
0x47: {  	p0 =	sne.s32 s25, $0x9E00;
	_ =	swait.ge [sflag:s21], $0x1800  }
.Ltmp1:
0x48: {  	[sflag:s21] =	ssyncset.done $0x0;
	(pc) =	sbr.rel @p0 .LBB2_4-.Ltmp1, $4  }
0x49: {  	s25 =	sadd.s32 $0x2800, s26;
	[sflag:s21] =	ssyncadd.s32 $0xFFFFE800  }
0x4a: {  	[spmem:s2] =	stream.indirect.scatter.add.f32 [tilespmem:s17], [sflag:$0x2], $0x30, s25, s20, $0xb8;
	[tilespmem:$0x15800] =	vst v63  }
0x4b: {  	_ =	swait.ge [sflag:s15], $0x1800  }
0x4c: {  	s25 =	smov.u32 s28;
	[sflag:s15] =	ssyncset.done $0x0  }
0x4d: {  	s24 =	sshra.s32 s24, $0x2;
	[sflag:s15] =	ssyncadd.s32 $0xFFFFE800  }
0x4e: {  	[tilespmem:s17], [sflag:$0x1] =	stream.indirect.gather [spmem:s3], $0x30, s24, s20, $0xb8;
	[tilespmem:$0x15800] =	vst v63  }
0x4f: {  	_ =	swait.ge [sflag:s21], $0x1800  }
0x50: {  	[sflag:s21] =	ssyncset.done $0x0  }
0x51: {  	s24 =	sadd.s32 $0x2800, s24;
	[sflag:s21] =	ssyncadd.s32 $0xFFFFE800  }
0x52: {  	[spmem:s2] =	stream.indirect.scatter.add.f32 [tilespmem:s17], [sflag:$0x2], $0x30, s24, s20, $0xb8;
	[tilespmem:$0x15800] =	vst v63  }
0x53: {  	_ =	swait.ge [sflag:s15], $0x1800  }
0x54: {  	s23 =	sadd.s32 $0x1, s23;
	[sflag:s15] =	ssyncset.done $0x0  }
0x55: {  	p0 =	sne.s32 s23, s10;
	[sflag:s15] =	ssyncadd.s32 $0xFFFFE800  }
.Ltmp2:
0x56: {  	[bflag:$0x0] =	sbarrier.arrive $0xFFFF;
	(pc) =	sbr.rel @p0 .LBB2_1-.Ltmp2, $4  }
0x57: {  	[hbm:s8], [sflag:s18] =	dma.local [spmem:s22], $0xF00  }
0x58: {  	_ =	swait.ge [sflag:s15], $0xF00  }
0x59: {  	[sflag:s15] =	ssyncset.done $0x0  }
0x5a: {  	[sflag:s15] =	ssyncadd.s32 $0xFFFFF100  }
0x5b: {  	_ =	sfence.sel $0x180000  }
0x5c: {  	[bflag:$0x0] =	sbarrier.arrive $0xFFFF  }
0x5d: {  	p0 =	sne.s32 s1, $0x0;
	_ =	strace $0x9000004D  }
0x5e: {  	s0 =	sadd.s32 @!p0 $0x100000, s0;
	[bflag:$0x2] =	sbarrier.arrive $0xFFFF  }
0x5f: {  	[sflag:s0] =	ssyncadd.tile.s32 @!p0 $0x1;
	_ =	shalt  }
.Lfunc_end2:
_tile_overlayer_lowered:
.L_overlay_start_2:
0x60: {  	(tag) =	ssettag $0x2  }
0x61: {  	s0 =	rddreg [dreg:$0x0];
	s2 =	stileid.u32  }
0x62: {  	s1 =	rddreg [dreg:$0x1];
	p0 =	sne.s32 s2, $0x0  }
0x63: {  	s3 =	rddreg [dreg:$0x2];
	[bflag:$0x3] =	sbarrier.arrive $0xFFFF;
	s2 =	simm.s32 @!p0 $0x1C02  }
0x64: {  	[timem:s3], [sflag:s2] =	dma.local @!p0 [hbm:s0], s1  }
0x65: {  	s0 =	simm.s32 @!p0 $0x2  }
0x66: {  	_ =	swait.ge @!p0 [sflag:s0], s1  }
0x67: {  	s1 =	ssub.s32 @!p0 $0x0, s1;
	[sflag:s0] =	ssyncset.done @!p0 $0x0  }
0x68: {  	[sflag:s0] =	ssyncadd.s32 @!p0 s1  }
0x69: {  	[bflag:$0x3] =	sbarrier.arrive $0xFFFF  }
0x6a: {  	_ =	shalt  }

// kernel: kernel.7.cloned.1.call-start
scs
__scs_entry_jumppad:
0x0: {  	(pc) =	sbr.rel $0x88, $3  }
0x1: {  	(tag) =	ssettag $0x0;
	lr =	simm.s32 $0x1  }
0x2: {  	[smem:$0x3F99] =	sst lr;
	_ =	strace $0xD0000000  }
0x3: {  	_ = 	snop  }
0x4: {  	_ = 	snop  }
0x5: {  	_ = 	snop  }
0x6: {  	_ = 	snop  }
0x7: {  	_ = 	snop  }
__scs_overlays_trampoline_lowered:
0x8: {  	[smem:$0x3FA8] =	sst s0  }
0x9: {  	[smem:$0x3FA9] =	sst s1  }
0xa: {  	[smem:$0x3FAA] =	sst s2  }
0xb: {  	[smem:$0x3FAB] =	sst s3  }
0xc: {  	[smem:$0x3FAC] =	sst s4  }
0xd: {  	[smem:$0x3FAD] =	sst s5  }
0xe: {  	[smem:$0x3FAE] =	sst s6  }
0xf: {  	[smem:$0x3FAF] =	sst s7  }
0x10: {  	[smem:$0x3FB0] =	sst s8  }
0x11: {  	[smem:$0x3FB1] =	sst s9;
	s0 =	simm.s32 @!p0 $0x0  }
0x12: {  	s1 =	sld [smem:$0x3F97];
	s0 =	simm.s32 @p0 $0x1  }
0x13: {  	[smem:$0x3FB2] =	sst s0;
	s0 =	simm.s32 @!p1 $0x0  }
0x14: {  	s2 =	sld [smem:$0x3F96];
	s0 =	simm.s32 @p1 $0x1  }
0x15: {  	[smem:$0x3FB3] =	sst s0;
	s0 =	simm.s32 @!p2 $0x0  }
0x16: {  	s3 =	sld [smem:$0x3FDB];
	s0 =	simm.s32 @p2 $0x1  }
0x17: {  	s4 =	simm.s32 $0x1BF5;
	[smem:$0x3FB5] =	sst s0  }
0x18: {  	s0 =	sld [smem:$0x3F98];
	_ =	swait.ge [sflag:s4], $0x0  }
0x19: {  	s7 =	sld [smem:$0x3F99]  }
0x1a: {  	s8 =	sadd.s32 $0xFFFFE003, lr  }
0x1b: {  	s9 =	sadd.s32 $0xFFFFFEF7, lr;
	s5 =	simm.s32 $0xFFFFFFFF;
	p2 =	slt.u32 s8, $0xFFFFF086  }
0x1c: {  	p1 =	slt.u32 s9, $0xF7A;
	s5 =	simm.s32 @!p2 $0x0  }
0x1d: {  	s5 =	simm.s32 @p1 $0x1;
	p0 =	seq.s32 s7, s2  }
0x1e: {  	s7 =	smul.u32 @!p0 $0xF7A, s2;
	p2 =	seq.s32 @!p0 s5, $0x0  }
0x1f: {  	s9 =	smul.u32 $0xF7A, s1;
	s8 =	simm.s32 @!p0 $0x1BF5;
	p2 =	por !p2, p0  }
0x20: {  	[sflag:s8] =	ssyncset.s32 @!p0 $0xFFFFF086;
	s6 =	sadd.s32 @!p0 s3, s7;
	s7 =	simm.s32 @!p0 $0x108  }
0x21: {  	s3 =	sadd.s32 s3, s9;
	s6 =	sadd.s32 @!p0 $0x88, s6;
	s7 =	simm.s32 @p2 $0x1082  }
0x22: {  	[simem:s7], [sflag:s8] =	dma.local @!p0 [hbm:s6], $0xF7A  }
0x23: {  	s9 =	sor.u32 $0xD0000000, s2;
	s6 =	simm.s32 $0x108;
	_ =	swait.ge @!p0 [sflag:s8], $0x0  }
0x24: {  	s3 =	sadd.s32 $0x88, s3;
	s6 =	simm.s32 @!p1 $0x1082;
	[sflag:s4] =	ssyncset.s32 $0xFFFFF086  }
0x25: {  	[simem:s6], [sflag:s4] =	dma.local [hbm:s3], $0xF7A  }
0x26: {  	[smem:$0x3F99] =	sst s1;
	(tag) =	ssettag s2;
	_ =	strace s9  }
0x27: {  	s1 =	sld [smem:$0x3FA9]  }
0x28: {  	s2 =	sld [smem:$0x3FAA]  }
0x29: {  	s4 =	sld [smem:$0x3FAC]  }
0x2a: {  	p0 =	seq.s32 s5, $0x0;
	s5 =	sld [smem:$0x3FAD]  }
0x2b: {  	s6 =	sld [smem:$0x3FAE]  }
0x2c: {  	s7 =	sld [smem:$0x3FAF]  }
0x2d: {  	s3 =	simm.s32 $0x108;
	s8 =	sld [smem:$0x3FB0]  }
0x2e: {  	s3 =	simm.s32 @!p0 $0x1082;
	s9 =	sld [smem:$0x3FB1]  }
0x2f: {  	lr =	sadd.s32 s0, s3;
	s0 =	sld [smem:$0x3FA8]  }
0x30: {  	s3 =	sld [smem:$0x3FAB]  }
0x31: {  	[smem:$0x3FB4] =	sst s10  }
0x32: {  	s10 =	sld [smem:$0x3FB2];
	_ =	sdelay $0x3  }
0x33: {  	p0 =	seq.s32 s10, $0x1;
	s10 =	sld [smem:$0x3FB4];
	_ =	sdelay $0x3  }
0x34: {  	[smem:$0x3FB4] =	sst s10  }
0x35: {  	s10 =	sld [smem:$0x3FB3];
	_ =	sdelay $0x3  }
0x36: {  	p1 =	seq.s32 s10, $0x1;
	s10 =	sld [smem:$0x3FB4];
	_ =	sdelay $0x3  }
0x37: {  	[smem:$0x3FB4] =	sst s10  }
0x38: {  	s10 =	sld [smem:$0x3FB5]  }
0x39: {  	_ = 	snop;
	(pc) =	sbr.ind lr, $3  }
0x3a: {  	_ = 	snop  }
0x3b: {  	_ = 	snop  }
0x3c: {  	p2 =	seq.s32 s10, $0x1;
	s10 =	sld [smem:$0x3FB4]  }
0x3d: {  	_ =	shalt  }
0x3e: {  	_ =	shalt  }
0x3f: {  	_ =	shalt  }
0x40: {  	_ =	shalt  }
0x41: {  	_ =	shalt  }
0x42: {  	_ =	shalt  }
0x43: {  	_ =	shalt  }
0x44: {  	_ =	shalt  }
0x45: {  	_ =	shalt  }
0x46: {  	_ =	shalt  }
0x47: {  	_ =	shalt  }
0x48: {  	_ =	shalt  }
0x49: {  	_ =	shalt  }
0x4a: {  	_ =	shalt  }
0x4b: {  	_ =	shalt  }
0x4c: {  	_ =	shalt  }
0x4d: {  	_ =	shalt  }
0x4e: {  	_ =	shalt  }
0x4f: {  	_ =	shalt  }
0x50: {  	_ =	shalt  }
0x51: {  	_ =	shalt  }
0x52: {  	_ =	shalt  }
0x53: {  	_ =	shalt  }
0x54: {  	_ =	shalt  }
0x55: {  	_ =	shalt  }
0x56: {  	_ =	shalt  }
0x57: {  	_ =	shalt  }
0x58: {  	_ =	shalt  }
0x59: {  	_ =	shalt  }
0x5a: {  	_ =	shalt  }
0x5b: {  	_ =	shalt  }
0x5c: {  	_ =	shalt  }
0x5d: {  	_ =	shalt  }
0x5e: {  	_ =	shalt  }
0x5f: {  	_ =	shalt  }
0x60: {  	_ =	shalt  }
0x61: {  	_ =	shalt  }
0x62: {  	_ =	shalt  }
0x63: {  	_ =	shalt  }
0x64: {  	_ =	shalt  }
0x65: {  	_ =	shalt  }
0x66: {  	_ =	shalt  }
0x67: {  	_ =	shalt  }
0x68: {  	_ =	shalt  }
0x69: {  	_ =	shalt  }
0x6a: {  	_ =	shalt  }
0x6b: {  	_ =	shalt  }
0x6c: {  	_ =	shalt  }
0x6d: {  	_ =	shalt  }
0x6e: {  	_ =	shalt  }
0x6f: {  	_ =	shalt  }
0x70: {  	_ =	shalt  }
0x71: {  	_ =	shalt  }
0x72: {  	_ =	shalt  }
0x73: {  	_ =	shalt  }
0x74: {  	_ =	shalt  }
0x75: {  	_ =	shalt  }
0x76: {  	_ =	shalt  }
0x77: {  	_ =	shalt  }
0x78: {  	_ =	shalt  }
0x79: {  	_ =	shalt  }
0x7a: {  	_ =	shalt  }
0x7b: {  	_ =	shalt  }
0x7c: {  	_ =	shalt  }
0x7d: {  	_ =	shalt  }
0x7e: {  	_ =	shalt  }
0x7f: {  	_ =	shalt  }
0x80: {  	_ =	shalt  }
0x81: {  	_ =	shalt  }
0x82: {  	_ =	shalt  }
0x83: {  	_ =	shalt  }
0x84: {  	_ =	shalt  }
0x85: {  	_ =	shalt  }
0x86: {  	_ =	shalt  }
0x87: {  	_ =	shalt  }
.Lfunc_end0:
.L_simem_size_0:
called_computation_lowered:
.L_overlay_start_0:
0x88: {  	s2 =	sld [smem:$0x3FD9]  }
0x89: {  	s3 =	sld [smem:$0x3FFE];
	_ =	sdelay $0x1  }
0x8a: {  	s1 =	srdreg.scid  }
0x8b: {  	s0 =	sand.u32 $0x1, s1  }
0x8c: {  	s17 =	sshll.u32 s0, $0xA;
	s2 =	sadd.s32 s3, s2  }
0x8d: {  	s2 =	sadd.s32 s2, s17  }
0x8e: {  	[smem:$0x3FC0] =	sst s2  }
0x8f: {  	_ = 	snop  }
0x90: {  	s18 =	sld [smem:$0x3FD0];
	(tm) =	ssettm $0x1  }
0x91: {  	s19 =	sld [smem:$0x3FFB];
	_ =	sdelay $0x3  }
0x92: {  	_ =	strace s19  }
0x93: {  	s2 =	sld [smem:$0x3FFC];
	_ =	sdelay $0x3  }
0x94: {  	_ =	strace s2  }
0x95: {  	s2 =	sld [smem:$0x3FFD];
	_ =	sdelay $0x3  }
0x96: {  	_ =	strace s2  }
0x97: {  	_ =	strace $0x8FFFFFFF  }
0x98: {  	s20 =	sld [smem:$0x3FDB];
	_ =	sdelay $0x1  }
0x99: {  	s4 =	simm.s32 $_scs_section_size  }
0x9a: {  	s5 =	simm.s32 $_size__tile_overlayer_lowered;
	s6 =	simm.s32 $_tile_overlayer_lowered  }
0x9b: {  	s7 =	simm.s32 $0x1BFF;
	s21 =	sshll.u32 s6, $0x1;
	s4 =	sadd.s32 s4, s20  }
0x9c: {  	s22 =	simm.s32 $0x0;
	s5 =	sshll.u32 s5, $0x1;
	s6 =	sadd.s32 s21, s4  }
0x9d: {  	[timem:s22], [sflag:s7] =	dma.local [hbm:s6], s5  }
0x9e: {  	_ =	swait.ge [sflag:s7], s5  }
0x9f: {  	s5 =	ssub.s32 $0x0, s5;
	[sflag:s7] =	ssyncset.done $0x0  }
0xa0: {  	[sflag:s7] =	ssyncadd.s32 s5;
	_ =	sdelay $0x1  }
0xa1: {  	s23 =	simm.s32 $0x1B8B  }
0xa2: {  	_ =	swait.ge [sflag:s23], $0x1  }
0xa3: {  	[sflag:s23] =	ssyncset.done $0x0  }
0xa4: {  	[sflag:s23] =	ssyncadd.s32 $0xFFFFFFFF  }
0xa5: {  	s5 =	sld [smem:$0x0]  }
0xa6: {  	s6 =	sand.u32 $0xFFFFFFFE, s1  }
0xa7: {  	p0 =	sne.s32 s1, s6  }
0xa8: {  	s6 =	sshll.u32 @p0 s6, $0xE  }
0xa9: {  	s6 =	sadd.s32 @p0 $0x11B8D, s6;
	s7 =	sshll.u32 @p0 s5, $0x11  }
0xaa: {  	s6 =	sor.u32 @p0 s7, s6  }
0xab: {  	[sflag:s6] =	ssyncadd.remote.s32 @p0 $0x1;
	_ =	sdelay $0x1  }
0xac: {  	s6 =	simm.s32 @p0 $0x1B8D  }
0xad: {  	_ =	swait.eq @p0 [sflag:s6], $0x1  }
0xae: {  	[sflag:s6] =	ssyncadd.s32 @p0 $0xFFFFFFFF  }
0xaf: {  	s7 =	sshll.u32 @!p0 s1, $0xE  }
0xb0: {  	s7 =	sor.u32 @!p0 $0x4000, s7;
	s6 =	simm.s32 @!p0 $0x1B8D  }
0xb1: {  	s5 =	sshll.u32 @!p0 s5, $0x11;
	s7 =	sadd.s32 @!p0 $0x11B8D, s7;
	_ =	swait.eq @!p0 [sflag:s6], $0x1  }
0xb2: {  	s5 =	sor.u32 @!p0 s5, s7;
	[sflag:s6] =	ssyncadd.s32 @!p0 $0xFFFFFFFF  }
0xb3: {  	s25 =	simm.s32 $0x1B8E;
	s24 =	sld [smem:$0x3FFE];
	[sflag:s5] =	ssyncadd.remote.s32 @!p0 $0x1  }
0xb4: {  	s26 =	simm.s32 $execute0_lowered;
	[smem:$0x3FD2] =	sst s25  }
0xb5: {  	s6 =	sshll.u32 s26, $0x1;
	_ =	strace $0x80000049;
	[dreg:$0x1] =	wrdreg $0xFFFFFFFF  }
0xb6: {  	s28 =	simm.s32 $_size_execute0_lowered;
	s4 =	sadd.s32 s4, s6;
	[dreg:$0x0] =	wrdreg $0x0  }
0xb7: {  	s6 =	sshll.u32 s28, $0x1;
	[dreg:$0x2] =	wrdreg s4  }
0xb8: {  	[dreg:$0x3] =	wrdreg s6  }
0xb9: {  	[dreg:$0x4] =	wrdreg $0xC0  }
0xba: {  	_ =	task [dreg:s22], $0x5FFFF  }
0xbb: {  	[dreg:$0x1] =	wrdreg $0xFFFFFFFF  }
0xbc: {  	[dreg:$0x0] =	wrdreg $0x60  }
0xbd: {  	[dreg:$0x2] =	wrdreg s24  }
0xbe: {  	[dreg:$0x3] =	wrdreg s18  }
0xbf: {  	[dreg:$0x4] =	wrdreg $0x70000  }
0xc0: {  	[dreg:$0x5] =	wrdreg $0x138000  }
0xc1: {  	[dreg:$0x6] =	wrdreg $0x9  }
0xc2: {  	_ =	task.clear_ibuf [dreg:s22], $0x7FFFF;
	_ =	strace $0x90000049  }
0xc3: {  	s29 =	simm.s32 $0x9;
	_ =	strace $0x8000004B  }
0xc4: {  	_ =	swait.ge [sflag:s29], $0x1  }
0xc5: {  	[sflag:s29] =	ssyncadd.s32 $0xFFFFFFFF  }
0xc6: {  	_ =	strace $0x9000004B  }
0xc7: {  	_ =	sfence  }
0xc8: {  	s30 =	sld [smem:$0x0];
	_ =	sdelay $0x2  }
0xc9: {  	s31 =	sshll.u32 s1, $0xD;
	s1 =	sshrl.u32 s1, $0x2  }
0xca: {  	s4 =	sand.u32 $0x4000, s31;
	s1 =	sadd.s32 s1, s30  }
0xcb: {  	s0 =	sor.u32 s4, s0;
	s1 =	sshll.u32 s1, $0x11  }
0xcc: {  	s0 =	sor.u32 s1, s0  }
0xcd: {  	s0 =	sadd.s32 $0x8F2B, s0  }
0xce: {  	[sflag:s0] =	ssyncadd.remote.s32 $0x1  }
0xcf: {  	_ =	sfence.sel $0xFFFF  }
0xd0: {  	[dreg:$0x0] =	wrdreg $0xFFFFFFFF;
	(pc) =	sbr.abs _section_cstart, $3  }
0xd1: {  	[dreg:$0x1] =	wrdreg $0xFFFFFFFF  }
0xd2: {  	_ =	task.clear_ibuf [dreg:s22], $0x2FFFF;
	_ =	strace $0x9FFFFFFF  }
0xd3: {  	(tm) =	ssettm $0x7FFFFFFF  }
tec
execute0_lowered:
.L_overlay_start_1:
0x0: {  	(tag) =	ssettag $0x1  }
0x1: {  	s5 =	rddreg [dreg:$0x0]  }
0x2: {  	s6 =	rddreg [dreg:$0x1]  }
0x3: {  	s2 =	rddreg [dreg:$0x2]  }
0x4: {  	s3 =	rddreg [dreg:$0x3]  }
0x5: {  	s0 =	rddreg [dreg:$0x4];
	s1 =	stileid.u32  }
0x6: {  	s7 =	srdreg.scid;
	s4 =	simm.s32 $0x0;
	s16 =	simm.s32 $0x2  }
0x7: {  	s17 =	simm.s32 $0x2800;
	s18 =	simm.s32 $0x5000;
	s21 =	simm.s32 $0x80  }
0x8: {  	s22 =	simm.s32 $0x11000;
	s23 =	simm.s32 $0x1;
	s25 =	simm.s32 $0x0  }
0x9: {  	s11 =	smul.u32 $0xA000, s1;
	s7 =	sand.u32 $0x1, s7;
	[smem:$0x7FF] =	sst s4  }
0xa: {  	s9 =	sshll.u32 s1, $0x1;
	s12 =	smul.u32 $0x28000, s1;
	s19 =	sshll.u32 s1, $0x6  }
0xb: {  	s8 =	smul.u32 $0xA0000, s7;
	_ =	strace $0x8000004A;
	s9 =	sor.u32 s7, s9  }
0xc: {  	s7 =	ssub.s32 $0x2, s7;
	s19 =	sor.u32 $0x1C02, s19;
	s10 =	sshrl.u32 s11, $0x3  }
0xd: {  	s9 =	smul.u32 $0x500, s9;
	s30 =	sshrl.u32 s7, $0x1;
	s31 =	sshrl.u32 s12, $0x2  }
0xe: {  	s20 =	sadd.s32 s11, s3;
	s24 =	sadd.s32 s11, s2;
	s8 =	sadd.s32 s11, s8  }
0xf: {  	s10 =	sadd.s32 s10, s5;
	s15 =	ssub.s32 s7, s30;
	s7 =	sadd.s32 s31, s2  }
0x10: {  	s20 =	sshrl.u32 s20, $0x3;
	s24 =	sshrl.u32 s24, $0x3;
	s8 =	sshrl.u32 s8, $0x3  }
0x11: {  	s14 =	sadd.s32 s9, s5;
	s11 =	smax.u32 s15, $0x1;
	s12 =	sadd.s32 $0x2000, s7  }
0x12: {  	s15 =	sadd.s32 $0x8000, s7;
	s13 =	sadd.s32 s8, s5;
	s5 =	sadd.s32 s6, s9  }
0x13: {  	s6 =	sadd.s32 $0x15A00, s14;
	s8 =	sadd.s32 $0x47A00, s10;
	s9 =	sadd.s32 $0x5BA00, s14  }
0x14: {  	v0 =	vimm.f32 $0.0e+00;
	s14 =	sadd.s32 $0x6000, s7;
	s10 =	sadd.s32 $0x65A00, s13;
	s13 =	sadd.s32 $0x4000, s7  }
.LBB2_1:
0x15: {  	[tilespmem:s4], [sflag:$0x2] =	stream.linear.gather [hbm4b:s5+s4], $0x2800, $0x38;
	[tilespmem:$0x1D800] =	vst v63  }
0x16: {  	_ =	swait.ge [sflag:s16], $0x2800  }
0x17: {  	[sflag:s16] =	ssyncset.done $0x0  }
0x18: {  	[sflag:s16] =	ssyncadd.s32 $0xFFFFD800  }
0x19: {  	[tilespmem:s17], [sflag:$0x2] =	stream.linear.gather [hbm4b:s6+s4], $0x2800, $0x38;
	[tilespmem:$0x1D800] =	vst v63  }
0x1a: {  	_ =	swait.ge [sflag:s16], $0x2800  }
0x1b: {  	[sflag:s16] =	ssyncset.done $0x0  }
0x1c: {  	s28 =	simm.s32 $0x100;
	s26 =	simm.s32 $0x0;
	[sflag:s16] =	ssyncadd.s32 $0xFFFFD800  }
.LBB2_2:
0x1d: {  	p0 =	sne.s32 s28, $0x7F00;
	[tilespmem:s26+$0x5030] =	vst v0;
	s29 =	smov.u32 s28;
	s28 =	sadd.s32 $0x100, s28  }
.Ltmp0:
0x1e: {  	[tilespmem:s26+$0x5020] =	vst v0;
	(pc) =	sbr.rel @p0 .LBB2_2-.Ltmp0, $3  }
0x1f: {  	[tilespmem:s26+$0x5000] =	vst v0  }
0x20: {  	[tilespmem:s26+$0x5010] =	vst v0;
	_ =	sdelay $0x1  }
0x21: {  	s26 =	sshra.s32 s29, $0x2  }
0x22: {  	[tilespmem:s26+$0x5030] =	vst v0  }
0x23: {  	[tilespmem:s26+$0x5020] =	vst v0  }
0x24: {  	[tilespmem:s26+$0x5000] =	vst v0  }
0x25: {  	[tilespmem:s26+$0x5010] =	vst v0  }
0x26: {  	[spmem:s7] =	stream.linear.scatter [tilespmem:s18], [sflag:$0x2], $0x2000, $0x38;
	[tilespmem:$0x1D800] =	vst v63  }
0x27: {  	_ =	swait.ge [sflag:s16], $0x2000  }
0x28: {  	[sflag:s16] =	ssyncset.done $0x0  }
0x29: {  	[sflag:s16] =	ssyncadd.s32 $0xFFFFE000  }
0x2a: {  	[spmem:s12] =	stream.linear.scatter [tilespmem:s18], [sflag:$0x2], $0x2000, $0x38;
	[tilespmem:$0x1D800] =	vst v63  }
0x2b: {  	_ =	swait.ge [sflag:s16], $0x2000  }
0x2c: {  	[sflag:s16] =	ssyncset.done $0x0  }
0x2d: {  	[sflag:s16] =	ssyncadd.s32 $0xFFFFE000  }
0x2e: {  	[spmem:s13] =	stream.linear.scatter [tilespmem:s18], [sflag:$0x2], $0x2000, $0x38;
	[tilespmem:$0x1D800] =	vst v63  }
0x2f: {  	_ =	swait.ge [sflag:s16], $0x2000  }
0x30: {  	[sflag:s16] =	ssyncset.done $0x0  }
0x31: {  	[sflag:s16] =	ssyncadd.s32 $0xFFFFE000  }
0x32: {  	[spmem:s14] =	stream.linear.scatter [tilespmem:s18], [sflag:$0x2], $0x2000, $0x38;
	[tilespmem:$0x1D800] =	vst v63  }
0x33: {  	_ =	swait.ge [sflag:s16], $0x2000  }
0x34: {  	[sflag:s16] =	ssyncset.done $0x0  }
0x35: {  	[sflag:s16] =	ssyncadd.s32 $0xFFFFE000  }
0x36: {  	[spmem:s15] =	stream.linear.scatter [tilespmem:s18], [sflag:$0x2], $0x2000, $0x38;
	[tilespmem:$0x1D800] =	vst v63  }
0x37: {  	_ =	swait.ge [sflag:s16], $0x2000  }
0x38: {  	[sflag:s16] =	ssyncset.done $0x0  }
0x39: {  	[sflag:s16] =	ssyncadd.s32 $0xFFFFE000  }
0x3a: {  	[spmem:s20], [sflag:s19] =	dma.local [hbm:s8], $0x1400  }
0x3b: {  	_ =	swait.ge [sflag:s16], $0x1400  }
0x3c: {  	[sflag:s16] =	ssyncset.done $0x0  }
0x3d: {  	s26 =	simm.s32 $0x40;
	s28 =	simm.s32 $0x0;
	[sflag:s16] =	ssyncadd.s32 $0xFFFFEC00  }
.LBB2_4:
0x3e: {  	p0 =	sne.s32 s26, $0x9FC0;
	[tilespmem:s28+$0x11000] =	vst v0;
	s28 =	smov.u32 s26;
	s26 =	sadd.s32 $0x40, s26  }
.Ltmp1:
0x3f: {  	(pc) =	sbr.rel @p0 .LBB2_4-.Ltmp1, $2  }
0x40: {  	_ =	sdelay $0x2  }
0x41: {  	s28 =	sshra.s32 s28, $0x2  }
0x42: {  	[tilespmem:s28+$0x11000] =	vst v0  }
0x43: {  	s26 =	simm.s32 $0x0;
	[bflag:$0x0] =	sbarrier.arrive $0xFFFF  }
.LBB2_6:
0x44: {  	s28 =	sshra.s32 s26, $0x2  }
0x45: {  	[tilespmem:s18], [sflag:$0x1] =	stream.indirect.gather [spmem:s3], $0x40, s28, s21, $0xb8;
	[tilespmem:$0x1D800] =	vst v63  }
0x46: {  	v1 =	vld [tilespmem:s28+$0x2800];
	_ =	sdelay $0x4  }
0x47: {  	(xrf1) =	vunique.msk.u32 $0xffff, v1;
	_ =	sdelay $0xd  }
0x48: {  	_, v2, vm0 =	vpop (xrf1);
	_ =	sdelay $0x3  }
0x49: {  	v2 =	vcvt.s32.f32 v2;
	_ =	sdelay $0x1  }
0x4a: {  	[tilespmem:v1+s22+$0x0] =	vst.idx.add.f32.msk vm0, v2  }
0x4b: {  	v1 =	vld [tilespmem:s28+$0x2810];
	_ =	sdelay $0x4  }
0x4c: {  	(xrf1) =	vunique.msk.u32 $0xffff, v1;
	_ =	sdelay $0xd  }
0x4d: {  	_, v2, vm0 =	vpop (xrf1);
	_ =	sdelay $0x3  }
0x4e: {  	v2 =	vcvt.s32.f32 v2;
	_ =	sdelay $0x1  }
0x4f: {  	[tilespmem:v1+s22+$0x0] =	vst.idx.add.f32.msk vm0, v2  }
0x50: {  	v1 =	vld [tilespmem:s28+$0x2820];
	_ =	sdelay $0x4  }
0x51: {  	(xrf1) =	vunique.msk.u32 $0xffff, v1;
	_ =	sdelay $0xd  }
0x52: {  	_, v2, vm0 =	vpop (xrf1);
	_ =	sdelay $0x3  }
0x53: {  	v2 =	vcvt.s32.f32 v2;
	_ =	sdelay $0x1  }
0x54: {  	[tilespmem:v1+s22+$0x0] =	vst.idx.add.f32.msk vm0, v2  }
0x55: {  	v1 =	vld [tilespmem:s28+$0x2830];
	_ =	sdelay $0x4  }
0x56: {  	(xrf1) =	vunique.msk.u32 $0xffff, v1;
	_ =	sdelay $0xd  }
0x57: {  	_, v2, vm0 =	vpop (xrf1);
	_ =	sdelay $0x3  }
0x58: {  	v2 =	vcvt.s32.f32 v2;
	_ =	sdelay $0x1  }
0x59: {  	[tilespmem:v1+s22+$0x0] =	vst.idx.add.f32.msk vm0, v2  }
0x5a: {  	v1 =	vld [tilespmem:s28+$0x2840];
	_ =	sdelay $0x4  }
0x5b: {  	(xrf1) =	vunique.msk.u32 $0xffff, v1;
	_ =	sdelay $0xd  }
0x5c: {  	_, v2, vm0 =	vpop (xrf1);
	_ =	sdelay $0x3  }
0x5d: {  	v2 =	vcvt.s32.f32 v2;
	_ =	sdelay $0x1  }
0x5e: {  	[tilespmem:v1+s22+$0x0] =	vst.idx.add.f32.msk vm0, v2  }
0x5f: {  	v1 =	vld [tilespmem:s28+$0x2850];
	_ =	sdelay $0x4  }
0x60: {  	(xrf1) =	vunique.msk.u32 $0xffff, v1;
	_ =	sdelay $0xd  }
0x61: {  	_, v2, vm0 =	vpop (xrf1);
	_ =	sdelay $0x3  }
0x62: {  	v2 =	vcvt.s32.f32 v2;
	_ =	sdelay $0x1  }
0x63: {  	[tilespmem:v1+s22+$0x0] =	vst.idx.add.f32.msk vm0, v2  }
0x64: {  	v1 =	vld [tilespmem:s28+$0x2860];
	_ =	sdelay $0x4  }
0x65: {  	(xrf1) =	vunique.msk.u32 $0xffff, v1;
	_ =	sdelay $0xd  }
0x66: {  	_, v2, vm0 =	vpop (xrf1);
	_ =	sdelay $0x3  }
0x67: {  	v2 =	vcvt.s32.f32 v2;
	_ =	sdelay $0x1  }
0x68: {  	[tilespmem:v1+s22+$0x0] =	vst.idx.add.f32.msk vm0, v2  }
0x69: {  	v1 =	vld [tilespmem:s28+$0x2870];
	_ =	sdelay $0x4  }
0x6a: {  	(xrf1) =	vunique.msk.u32 $0xffff, v1;
	_ =	sdelay $0xd  }
0x6b: {  	_, v2, vm0 =	vpop (xrf1);
	_ =	sdelay $0x3  }
0x6c: {  	v2 =	vcvt.s32.f32 v2;
	_ =	sdelay $0x1  }
0x6d: {  	[tilespmem:v1+s22+$0x0] =	vst.idx.add.f32.msk vm0, v2  }
0x6e: {  	_ =	swait.ge [sflag:s23], $0x2000  }
0x6f: {  	p0 =	sne.s32 s26, $0x9E00;
	[sflag:s23] =	ssyncset.done $0x0  }
.Ltmp2:
0x70: {  	s28 =	sadd.s32 $0x2800, s28;
	[sflag:s23] =	ssyncadd.s32 $0xFFFFE000;
	(pc) =	sbr.rel @p0 .LBB2_6-.Ltmp2, $4  }
0x71: {  	[spmem:s2] =	stream.indirect.scatter.add.f32 [tilespmem:s18], [sflag:$0x2], $0x40, s28, s21, $0xb8;
	[tilespmem:$0x1D800] =	vst v63  }
0x72: {  	_ =	swait.ge [sflag:s16], $0x2000  }
0x73: {  	[sflag:s16] =	ssyncset.done $0x0  }
0x74: {  	s26 =	sadd.s32 $0x200, s26;
	[sflag:s16] =	ssyncadd.s32 $0xFFFFE000  }
0x75: {  	[hbm4b:s9+s4] =	stream.linear.scatter [tilespmem:s22], [sflag:$0x2], $0x2800, $0x38;
	[tilespmem:$0x1D800] =	vst v63  }
0x76: {  	_ =	swait.ge [sflag:s16], $0x2800  }
0x77: {  	s25 =	sadd.s32 $0x1, s25;
	[sflag:s16] =	ssyncset.done $0x0  }
0x78: {  	p0 =	sne.s32 s25, s11;
	[sflag:s16] =	ssyncadd.s32 $0xFFFFD800  }
.Ltmp3:
0x79: {  	[bflag:$0x0] =	sbarrier.arrive $0xFFFF;
	(pc) =	sbr.rel @p0 .LBB2_1-.Ltmp3, $4  }
0x7a: {  	[hbm:s10], [sflag:s19] =	dma.local [spmem:s24], $0x1400  }
0x7b: {  	_ =	swait.ge [sflag:s16], $0x1400  }
0x7c: {  	[sflag:s16] =	ssyncset.done $0x0  }
0x7d: {  	[sflag:s16] =	ssyncadd.s32 $0xFFFFEC00  }
0x7e: {  	_ =	sfence.sel $0x180000  }
0x7f: {  	[bflag:$0x0] =	sbarrier.arrive $0xFFFF  }
0x80: {  	p0 =	sne.s32 s1, $0x0;
	_ =	strace $0x9000004A  }
0x81: {  	s0 =	sadd.s32 @!p0 $0x100000, s0;
	[bflag:$0x2] =	sbarrier.arrive $0xFFFF  }
0x82: {  	[sflag:s0] =	ssyncadd.tile.s32 @!p0 $0x1;
	_ =	shalt  }
.Lfunc_end2:
_tile_overlayer_lowered:
.L_overlay_start_2:
0x83: {  	(tag) =	ssettag $0x2  }
0x84: {  	s0 =	rddreg [dreg:$0x0];
	s2 =	stileid.u32  }
0x85: {  	s1 =	rddreg [dreg:$0x1];
	p0 =	sne.s32 s2, $0x0  }
0x86: {  	s3 =	rddreg [dreg:$0x2];
	[bflag:$0x3] =	sbarrier.arrive $0xFFFF;
	s2 =	simm.s32 @!p0 $0x1C02  }
0x87: {  	[timem:s3], [sflag:s2] =	dma.local @!p0 [hbm:s0], s1  }
0x88: {  	s0 =	simm.s32 @!p0 $0x2  }
0x89: {  	_ =	swait.ge @!p0 [sflag:s0], s1  }
0x8a: {  	s1 =	ssub.s32 @!p0 $0x0, s1;
	[sflag:s0] =	ssyncset.done @!p0 $0x0  }
0x8b: {  	[sflag:s0] =	ssyncadd.s32 @!p0 s1  }
0x8c: {  	[bflag:$0x3] =	sbarrier.arrive $0xFFFF  }
0x8d: {  	_ =	shalt  }

</sc_bundles>
